<compile_context>
chip_gen: v7x
topology: tpu7x:2x2x1
jax: 0.10.2.dev20260603
libtpu: 0.0.44.dev20260713+nightly
codegen_flags: <defaults>
</compile_context>

<pallas_src>
import jax
import jax.numpy as jnp
from jax import lax
from jax.experimental import pallas as pl
from jax.experimental.pallas import tpu as pltpu
from jax.experimental.pallas import tpu_sc as plsc

B, S, H = 1, 2048, 1024
E, TOPK, DFF = 8, 2, 1024
T = B * S
TILE = 128
NT = 40
NROWS = NT * TILE

NC, NS = 2, 16
NW = NC * NS
TPW = T // NW
CHUNK = 64



def _pack_bf16(x):
    n = x.shape[1] // 2
    vb = x.astype(jnp.bfloat16).astype(jnp.float32)
    ui = lax.bitcast_convert_type(vb, jnp.uint32)
    lo = lax.shift_right_logical(ui[:, :n], jnp.uint32(16))
    hi = jnp.bitwise_and(ui[:, n:], jnp.uint32(0xFFFF0000))
    return lax.bitcast_convert_type(jnp.bitwise_or(lo, hi), jnp.int32)


def _unpack_bf16(px):
    pu = lax.bitcast_convert_type(px, jnp.uint32)
    lo = lax.shift_left(pu, jnp.uint32(16))
    hi = jnp.bitwise_and(pu, jnp.uint32(0xFFFF0000))
    return jnp.concatenate(
        [lax.bitcast_convert_type(lo, jnp.float32),
         lax.bitcast_convert_type(hi, jnp.float32)], axis=1)


def _gate_body(x_ref, gk_ref, pos0_ref, pos1_ref, w0_ref, w1_ref, eid_ref,
               xi_ref):
    x = x_ref[...]
    gk = gk_ref[...]
    logits = lax.dot_general(
        x, gk, (((1,), (0,)), ((), ())), preferred_element_type=jnp.float32
    )

    cols = lax.broadcasted_iota(jnp.int32, (T, E), 1)
    m1 = jnp.max(logits, axis=1, keepdims=True)
    idx1 = jnp.min(jnp.where(logits == m1, cols, E), axis=1, keepdims=True)
    masked = jnp.where(cols == idx1, -jnp.inf, logits)
    m2 = jnp.max(masked, axis=1, keepdims=True)
    idx2 = jnp.min(jnp.where(masked == m2, cols, E), axis=1, keepdims=True)
    r = jnp.exp(m2 - m1)
    w0_ref[...] = 1.0 / (1.0 + r)
    w1_ref[...] = r / (1.0 + r)

    oh1 = (cols == idx1).astype(jnp.float32)
    oh2 = (cols == idx2).astype(jnp.float32)
    n_pair = oh1 + oh2
    ri = lax.broadcasted_iota(jnp.int32, (T, T), 0)
    ci = lax.broadcasted_iota(jnp.int32, (T, T), 1)
    tri = (ri >= ci).astype(jnp.bfloat16)
    c_incl = lax.dot_general(
        tri, n_pair.astype(jnp.bfloat16), (((1,), (0,)), ((), ())),
        preferred_element_type=jnp.float32,
    )
    c_excl = c_incl - n_pair
    counts = c_incl[T - 1 : T, :]
    ntiles = jnp.floor((counts + jnp.float32(TILE - 1)) * jnp.float32(1.0 / TILE))
    eri = lax.broadcasted_iota(jnp.int32, (E, E), 0)
    eci = lax.broadcasted_iota(jnp.int32, (E, E), 1)
    stri = (eri < eci).astype(jnp.float32)
    starts = lax.dot_general(
        ntiles, stri, (((1,), (0,)), ((), ())), preferred_element_type=jnp.float32
    )
    row_start = starts * jnp.float32(TILE)

    pos0 = jnp.sum(oh1 * (row_start + c_excl), axis=1, keepdims=True)
    pos1 = jnp.sum(oh2 * (row_start + c_excl), axis=1, keepdims=True)
    pos0_ref[...] = pos0.astype(jnp.int32)
    pos1_ref[...] = pos1.astype(jnp.int32)

    ti = lax.broadcasted_iota(jnp.int32, (1, NT), 1).astype(jnp.float32)
    acc = jnp.zeros((1, NT), jnp.float32)
    for e in range(E):
        acc = acc + (ti >= starts[:, e : e + 1]).astype(jnp.float32)
    eid = jnp.clip(acc - 1.0, 0.0, float(E - 1))
    eid_ref[...] = eid.astype(jnp.int32)

    xi_ref[...] = _pack_bf16(x)


def _scatter_body(flat_hbm, pos0_hbm, pos1_hbm, xpad_hbm,
                  rows_v, idx0_v, idx1_v, sem):
    wid = lax.axis_index("s") * NC + lax.axis_index("c")
    base = wid * TPW
    pltpu.sync_copy(pos0_hbm.at[pl.ds(base, TPW)], idx0_v)
    pltpu.sync_copy(pos1_hbm.at[pl.ds(base, TPW)], idx1_v)
    pltpu.sync_copy(flat_hbm.at[pl.ds(base, TPW)], rows_v)
    c0 = pltpu.async_copy(rows_v, xpad_hbm.at[idx0_v], sem)
    c1 = pltpu.async_copy(rows_v, xpad_hbm.at[idx1_v], sem)
    c0.wait()
    c1.wait()


def _mlp_body(eid_ref, x_ref, w1_ref, b1_ref, w2_ref, b2_ref, out_ref):
    x = _unpack_bf16(x_ref[...])
    h = lax.dot_general(
        x, w1_ref[0], (((1,), (0,)), ((), ())), preferred_element_type=jnp.float32
    )
    h = jax.nn.gelu(h + b1_ref[0])
    o = lax.dot_general(
        h, w2_ref[0], (((1,), (0,)), ((), ())), preferred_element_type=jnp.float32
    )
    out_ref[...] = _pack_bf16(o + b2_ref[0])


def _gather_body(opad_hbm, pos0_hbm, pos1_hbm,
                 g0_hbm, g1_hbm, rows0_v, rows1_v, idx0_v, idx1_v, sem):
    wid = lax.axis_index("s") * NC + lax.axis_index("c")
    for c in range(TPW // CHUNK):
        base = wid * TPW + c * CHUNK
        pltpu.sync_copy(pos0_hbm.at[pl.ds(base, CHUNK)], idx0_v)
        pltpu.sync_copy(pos1_hbm.at[pl.ds(base, CHUNK)], idx1_v)
        c0 = pltpu.async_copy(opad_hbm.at[idx0_v], rows0_v, sem)
        c1 = pltpu.async_copy(opad_hbm.at[idx1_v], rows1_v, sem)
        c0.wait()
        c1.wait()
        pltpu.sync_copy(rows0_v, g0_hbm.at[pl.ds(base, CHUNK)])
        pltpu.sync_copy(rows1_v, g1_hbm.at[pl.ds(base, CHUNK)])


def _shared_body(x_ref, w1_ref, b1_ref, w2_ref, b2_ref,
                 g0_ref, g1_ref, wt0_ref, wt1_ref, out_ref):
    x = x_ref[...]
    h = lax.dot_general(
        x, w1_ref[...], (((1,), (0,)), ((), ())), preferred_element_type=jnp.float32
    )
    h = jax.nn.gelu(h + b1_ref[...])
    o = lax.dot_general(
        h, w2_ref[...], (((1,), (0,)), ((), ())), preferred_element_type=jnp.float32
    )
    g0 = _unpack_bf16(g0_ref[...])
    g1 = _unpack_bf16(g1_ref[...])
    out_ref[...] = (o + b2_ref[...] + wt0_ref[...] * g0
                    + wt1_ref[...] * g1)


def kernel(hidden_states, gate_kernel, W1, b1, W2, b2, Ws1, bs1, Ws2, bs2):
    flat = hidden_states.reshape(T, H)
    gk_t = gate_kernel.T

    pos0, pos1, w0, w1, eid, flat_i = pl.pallas_call(
        _gate_body,
        out_shape=(
            jax.ShapeDtypeStruct((T, 1), jnp.int32),
            jax.ShapeDtypeStruct((T, 1), jnp.int32),
            jax.ShapeDtypeStruct((T, 1), jnp.float32),
            jax.ShapeDtypeStruct((T, 1), jnp.float32),
            jax.ShapeDtypeStruct((1, NT), jnp.int32),
            jax.ShapeDtypeStruct((T, H // 2), jnp.int32),
        ),
    )(flat, gk_t)
    pos0 = pos0.reshape(T)
    pos1 = pos1.reshape(T)
    eid = eid.reshape(NT)

    mesh = plsc.VectorSubcoreMesh(core_axis_name="c", subcore_axis_name="s")
    x_pad = pl.kernel(
        _scatter_body,
        out_type=jax.ShapeDtypeStruct((NROWS, H // 2), jnp.int32),
        mesh=mesh,
        scratch_types=[
            pltpu.VMEM((TPW, H // 2), jnp.int32),
            pltpu.VMEM((TPW,), jnp.int32),
            pltpu.VMEM((TPW,), jnp.int32),
            pltpu.SemaphoreType.DMA,
        ],
    )(flat_i, pos0, pos1)

    b1r = b1.reshape(E, 1, DFF)
    b2r = b2.reshape(E, 1, H)
    o_pad = pl.pallas_call(
        _mlp_body,
        grid_spec=pltpu.PrefetchScalarGridSpec(
            num_scalar_prefetch=1,
            grid=(NT,),
            in_specs=[
                pl.BlockSpec((TILE, H // 2), lambda i, eid_ref: (i, 0)),
                pl.BlockSpec((1, H, DFF), lambda i, eid_ref: (eid_ref[i], 0, 0)),
                pl.BlockSpec((1, 1, DFF), lambda i, eid_ref: (eid_ref[i], 0, 0)),
                pl.BlockSpec((1, DFF, H), lambda i, eid_ref: (eid_ref[i], 0, 0)),
                pl.BlockSpec((1, 1, H), lambda i, eid_ref: (eid_ref[i], 0, 0)),
            ],
            out_specs=pl.BlockSpec((TILE, H // 2), lambda i, eid_ref: (i, 0)),
        ),
        out_shape=jax.ShapeDtypeStruct((NROWS, H // 2), jnp.int32),
    )(eid, x_pad, W1, b1r, W2, b2r)

    g0, g1 = pl.kernel(
        _gather_body,
        out_type=(
            jax.ShapeDtypeStruct((T, H // 2), jnp.int32),
            jax.ShapeDtypeStruct((T, H // 2), jnp.int32),
        ),
        mesh=mesh,
        scratch_types=[
            pltpu.VMEM((CHUNK, H // 2), jnp.int32),
            pltpu.VMEM((CHUNK, H // 2), jnp.int32),
            pltpu.VMEM((CHUNK,), jnp.int32),
            pltpu.VMEM((CHUNK,), jnp.int32),
            pltpu.SemaphoreType.DMA,
        ],
    )(o_pad, pos0, pos1)

    ST = 256
    y = pl.pallas_call(
        _shared_body,
        grid=(T // ST,),
        in_specs=[
            pl.BlockSpec((ST, H), lambda i: (i, 0)),
            pl.BlockSpec((H, DFF), lambda i: (0, 0)),
            pl.BlockSpec((1, DFF), lambda i: (0, 0)),
            pl.BlockSpec((DFF, H), lambda i: (0, 0)),
            pl.BlockSpec((1, H), lambda i: (0, 0)),
            pl.BlockSpec((ST, H // 2), lambda i: (i, 0)),
            pl.BlockSpec((ST, H // 2), lambda i: (i, 0)),
            pl.BlockSpec((ST, 1), lambda i: (i, 0)),
            pl.BlockSpec((ST, 1), lambda i: (i, 0)),
        ],
        out_specs=pl.BlockSpec((ST, H), lambda i: (i, 0)),
        out_shape=jax.ShapeDtypeStruct((T, H), jnp.float32),
    )(flat, Ws1, bs1.reshape(1, DFF), Ws2, bs2.reshape(1, H), g0, g1, w0, w1)

    return y.reshape(B, S, H)

# --- scband reference (transcript-rebuilt; emitter-appended) ---
"""Pipeline reference for scband-di-tmo-eblock-40742059770496 (READ-ONLY COPY).

The authoritative reference and input builder live on the scoring server;
editing this copy changes nothing except your own understanding.
"""

import jax, jax.numpy as jnp
import numpy as np

B, S, H = 1, 2048, 1024
E, TOPK, DFF = 8, 2, 1024
N_SHARED = 1
DFF_SHARED = DFF * N_SHARED


def setup_inputs(seed: int = 0) -> dict:
    key = jax.random.key(seed)
    ks = jax.random.split(key, 8)
    sc = 0.02
    return {
        "hidden_states": jax.random.normal(ks[0], (B, S, H), jnp.float32),
        "gate_kernel": jax.random.normal(ks[1], (E, H), jnp.float32) * sc,
        "W1": jax.random.normal(ks[2], (E, H, DFF), jnp.float32) * sc,
        "b1": jnp.zeros((E, DFF), jnp.float32),
        "W2": jax.random.normal(ks[3], (E, DFF, H), jnp.float32) * sc,
        "b2": jnp.zeros((E, H), jnp.float32),
        "Ws1": jax.random.normal(ks[4], (H, DFF_SHARED), jnp.float32) * sc,
        "bs1": jnp.zeros((DFF_SHARED,), jnp.float32),
        "Ws2": jax.random.normal(ks[5], (DFF_SHARED, H), jnp.float32) * sc,
        "bs2": jnp.zeros((H,), jnp.float32),
    }


def _moe_forward(hidden_states, gate_kernel, W1, b1, W2, b2, Ws1, bs1, Ws2, bs2):
    Bq, Sq, Hq = hidden_states.shape
    T = Bq * Sq
    flat = hidden_states.reshape(T, Hq)
    # MoEGate: logits -> softmax -> greedy top-k -> normalize (norm_topk_prob=True)
    logits = flat.astype(jnp.float32) @ gate_kernel.astype(jnp.float32).T  # [T, E]
    scores = jax.nn.softmax(logits, axis=-1)
    topk_weight, topk_idx = jax.lax.top_k(scores, TOPK)  # [T, K]
    denom = jnp.sum(topk_weight, axis=-1, keepdims=True) + 1e-20
    topk_weight = topk_weight / denom
    # DiTMLPMoE: run every expert MLP on all tokens, then gather/combine (dense dispatch)
    def expert_fn(w1, bb1, w2, bb2):
        h = jax.nn.gelu(flat @ w1 + bb1)
        return h @ w2 + bb2
    expert_out = jax.vmap(expert_fn)(W1, b1, W2, b2)  # [E, T, H]
    gathered = expert_out[topk_idx, jnp.arange(T)[:, None]]  # [T, K, H]
    y = jnp.sum(gathered * topk_weight[:, :, None].astype(gathered.dtype), axis=1)  # [T, H]
    # Shared experts (always active)
    shared = jax.nn.gelu(flat @ Ws1 + bs1) @ Ws2 + bs2
    y = y + shared
    return y.reshape(Bq, Sq, Hq)


def reference(hidden_states, gate_kernel, W1, b1, W2, b2, Ws1, bs1, Ws2, bs2):
    return _moe_forward(hidden_states, gate_kernel, W1, b1, W2, b2, Ws1, bs1, Ws2, bs2)

if __name__ == "__main__":
    import jax
    _d = setup_inputs()
    print(jax.jit(kernel)(*tuple(_d.values())))

</pallas_src>

<mosaic_0001>
#map = affine_map<(d0, d1) -> (0, 0)>
#map1 = affine_map<(d0, d1) -> (0)>
module attributes {stable_mosaic.version = 14 : i64} {
  func.func @_gather_body(%arg0: i32, %arg1: i32, %arg2: memref<5120x512xi32, #tpu.memory_space<hbm>>, %arg3: memref<2048xi32, #tpu.memory_space<hbm>>, %arg4: memref<2048xi32, #tpu.memory_space<hbm>>, %arg5: memref<2048x512xi32, #tpu.memory_space<hbm>>, %arg6: memref<2048x512xi32, #tpu.memory_space<hbm>>, %arg7: memref<64x512xi32, #tpu.memory_space<vmem>>, %arg8: memref<64x512xi32, #tpu.memory_space<vmem>>, %arg9: memref<64xi32, #tpu.memory_space<vmem>>, %arg10: memref<64xi32, #tpu.memory_space<vmem>>, %arg11: memref<!tpu.dma_semaphore, #tpu.memory_space<semaphore_mem>>) attributes {dimension_semantics = [#tpu.dimension_semantics<core_parallel>, #tpu.dimension_semantics<subcore_parallel>], iteration_bounds = array<i64: 2, 16>, scalar_prefetch = 0 : i64, scratch_operands = 5 : i64, tpu.core_type = #tpu.core_type<sc_vector_subcore>, window_params = [{transform_indices = #map}, {transform_indices = #map1}, {transform_indices = #map1}, {transform_indices = #map}, {transform_indices = #map}]} {
    %mul3A = arith.constant 2 : i32
    %mul3A_0 = arith.muli %arg1, %mul3A : i32
    %add3A = arith.addi %mul3A_0, %arg0 : i32
    %mul3A_1 = arith.constant 64 : i32
    %mul3A_2 = arith.muli %add3A, %mul3A_1 : i32
    %add3A_3 = arith.constant 0 : i32
    %add3A_4 = arith.addi %mul3A_2, %add3A_3 : i32
    "tpu.region"() ({
      %run_scoped3A = tpu.sem_alloc : memref<!tpu.dma_semaphore, #tpu.memory_space<semaphore_mem>>
      %dma_start3A_15 = tpu.memref_slice %arg3[%add3A_4] : memref<2048xi32, #tpu.memory_space<hbm>> -> memref<64xi32, #tpu.memory_space<hbm>>
      %dma_start3A_16 = tpu.memref_slice %arg3[%add3A_4] : memref<2048xi32, #tpu.memory_space<hbm>> -> memref<64xi32, #tpu.memory_space<hbm>>
      tpu.enqueue_dma source(%dma_start3A_16 : memref<64xi32, #tpu.memory_space<hbm>>) target(%arg9 : memref<64xi32, #tpu.memory_space<vmem>>) target_semaphore(%run_scoped3A : memref<!tpu.dma_semaphore, #tpu.memory_space<semaphore_mem>>)
      %dma_wait3A_17 = tpu.memref_slice %arg3[%add3A_4] : memref<2048xi32, #tpu.memory_space<hbm>> -> memref<64xi32, #tpu.memory_space<hbm>>
      %dma_wait3A_18 = tpu.memref_slice %arg3[%add3A_4] : memref<2048xi32, #tpu.memory_space<hbm>> -> memref<64xi32, #tpu.memory_space<hbm>>
      tpu.wait_dma2 semaphore(%run_scoped3A : memref<!tpu.dma_semaphore, #tpu.memory_space<semaphore_mem>>) src(%dma_wait3A_18 : memref<64xi32, #tpu.memory_space<hbm>>) dst(%arg9 : memref<64xi32, #tpu.memory_space<vmem>>)
      tpu.yield
    }) : () -> ()
    "tpu.region"() ({
      %run_scoped3A = tpu.sem_alloc : memref<!tpu.dma_semaphore, #tpu.memory_space<semaphore_mem>>
      %dma_start3A_15 = tpu.memref_slice %arg4[%add3A_4] : memref<2048xi32, #tpu.memory_space<hbm>> -> memref<64xi32, #tpu.memory_space<hbm>>
      %dma_start3A_16 = tpu.memref_slice %arg4[%add3A_4] : memref<2048xi32, #tpu.memory_space<hbm>> -> memref<64xi32, #tpu.memory_space<hbm>>
      tpu.enqueue_dma source(%dma_start3A_16 : memref<64xi32, #tpu.memory_space<hbm>>) target(%arg10 : memref<64xi32, #tpu.memory_space<vmem>>) target_semaphore(%run_scoped3A : memref<!tpu.dma_semaphore, #tpu.memory_space<semaphore_mem>>)
      %dma_wait3A_17 = tpu.memref_slice %arg4[%add3A_4] : memref<2048xi32, #tpu.memory_space<hbm>> -> memref<64xi32, #tpu.memory_space<hbm>>
      %dma_wait3A_18 = tpu.memref_slice %arg4[%add3A_4] : memref<2048xi32, #tpu.memory_space<hbm>> -> memref<64xi32, #tpu.memory_space<hbm>>
      tpu.wait_dma2 semaphore(%run_scoped3A : memref<!tpu.dma_semaphore, #tpu.memory_space<semaphore_mem>>) src(%dma_wait3A_18 : memref<64xi32, #tpu.memory_space<hbm>>) dst(%arg10 : memref<64xi32, #tpu.memory_space<vmem>>)
      tpu.yield
    }) : () -> ()
    %dma_start3A = arith.constant 0 : i32
    %dma_start3A_5 = arith.constant 0 : i32
    %dma_start3A_6 = tpu.memref_slice %arg2[%dma_start3A, %dma_start3A_5] : memref<5120x512xi32, #tpu.memory_space<hbm>> -> memref<5120x512xi32, #tpu.memory_space<hbm>>
    tpu.enqueue_indirect_dma source(%dma_start3A_6 : memref<5120x512xi32, #tpu.memory_space<hbm>>) target(%arg7 : memref<64x512xi32, #tpu.memory_space<vmem>>) offsets(%arg9 : memref<64xi32, #tpu.memory_space<vmem>>) semaphore(%arg11 : memref<!tpu.dma_semaphore, #tpu.memory_space<semaphore_mem>>)
    %dma_start3A_7 = arith.constant 0 : i32
    %dma_start3A_8 = arith.constant 0 : i32
    %dma_start3A_9 = tpu.memref_slice %arg2[%dma_start3A_7, %dma_start3A_8] : memref<5120x512xi32, #tpu.memory_space<hbm>> -> memref<5120x512xi32, #tpu.memory_space<hbm>>
    tpu.enqueue_indirect_dma source(%dma_start3A_9 : memref<5120x512xi32, #tpu.memory_space<hbm>>) target(%arg8 : memref<64x512xi32, #tpu.memory_space<vmem>>) offsets(%arg10 : memref<64xi32, #tpu.memory_space<vmem>>) semaphore(%arg11 : memref<!tpu.dma_semaphore, #tpu.memory_space<semaphore_mem>>)
    %dma_wait3A = arith.constant 0 : i32
    %dma_wait3A_10 = arith.constant 0 : i32
    %dma_wait3A_11 = tpu.memref_slice %arg2[%dma_wait3A, %dma_wait3A_10] : memref<5120x512xi32, #tpu.memory_space<hbm>> -> memref<5120x512xi32, #tpu.memory_space<hbm>>
    tpu.wait_indirect_dma semaphore(%arg11 : memref<!tpu.dma_semaphore, #tpu.memory_space<semaphore_mem>>) src(%dma_wait3A_11 : memref<5120x512xi32, #tpu.memory_space<hbm>>) dst(%arg7 : memref<64x512xi32, #tpu.memory_space<vmem>>)
    %dma_wait3A_12 = arith.constant 0 : i32
    %dma_wait3A_13 = arith.constant 0 : i32
    %dma_wait3A_14 = tpu.memref_slice %arg2[%dma_wait3A_12, %dma_wait3A_13] : memref<5120x512xi32, #tpu.memory_space<hbm>> -> memref<5120x512xi32, #tpu.memory_space<hbm>>
    tpu.wait_indirect_dma semaphore(%arg11 : memref<!tpu.dma_semaphore, #tpu.memory_space<semaphore_mem>>) src(%dma_wait3A_14 : memref<5120x512xi32, #tpu.memory_space<hbm>>) dst(%arg8 : memref<64x512xi32, #tpu.memory_space<vmem>>)
    "tpu.region"() ({
      %run_scoped3A = tpu.sem_alloc : memref<!tpu.dma_semaphore, #tpu.memory_space<semaphore_mem>>
      %dma_start3A_15 = arith.constant 0 : i32
      %dma_start3A_16 = tpu.memref_slice %arg5[%add3A_4, %dma_start3A_15] : memref<2048x512xi32, #tpu.memory_space<hbm>> -> memref<64x512xi32, #tpu.memory_space<hbm>>
      %dma_start3A_17 = arith.constant 0 : i32
      %dma_start3A_18 = tpu.memref_slice %arg5[%add3A_4, %dma_start3A_17] : memref<2048x512xi32, #tpu.memory_space<hbm>> -> memref<64x512xi32, #tpu.memory_space<hbm>>
      tpu.enqueue_dma source(%arg7 : memref<64x512xi32, #tpu.memory_space<vmem>>) target(%dma_start3A_18 : memref<64x512xi32, #tpu.memory_space<hbm>>) target_semaphore(%run_scoped3A : memref<!tpu.dma_semaphore, #tpu.memory_space<semaphore_mem>>)
      %dma_wait3A_19 = arith.constant 0 : i32
      %dma_wait3A_20 = tpu.memref_slice %arg5[%add3A_4, %dma_wait3A_19] : memref<2048x512xi32, #tpu.memory_space<hbm>> -> memref<64x512xi32, #tpu.memory_space<hbm>>
      %dma_wait3A_21 = arith.constant 0 : i32
      %dma_wait3A_22 = tpu.memref_slice %arg5[%add3A_4, %dma_wait3A_21] : memref<2048x512xi32, #tpu.memory_space<hbm>> -> memref<64x512xi32, #tpu.memory_space<hbm>>
      tpu.wait_dma2 semaphore(%run_scoped3A : memref<!tpu.dma_semaphore, #tpu.memory_space<semaphore_mem>>) src(%arg7 : memref<64x512xi32, #tpu.memory_space<vmem>>) dst(%dma_wait3A_22 : memref<64x512xi32, #tpu.memory_space<hbm>>)
      tpu.yield
    }) : () -> ()
    "tpu.region"() ({
      %run_scoped3A = tpu.sem_alloc : memref<!tpu.dma_semaphore, #tpu.memory_space<semaphore_mem>>
      %dma_start3A_15 = arith.constant 0 : i32
      %dma_start3A_16 = tpu.memref_slice %arg6[%add3A_4, %dma_start3A_15] : memref<2048x512xi32, #tpu.memory_space<hbm>> -> memref<64x512xi32, #tpu.memory_space<hbm>>
      %dma_start3A_17 = arith.constant 0 : i32
      %dma_start3A_18 = tpu.memref_slice %arg6[%add3A_4, %dma_start3A_17] : memref<2048x512xi32, #tpu.memory_space<hbm>> -> memref<64x512xi32, #tpu.memory_space<hbm>>
      tpu.enqueue_dma source(%arg8 : memref<64x512xi32, #tpu.memory_space<vmem>>) target(%dma_start3A_18 : memref<64x512xi32, #tpu.memory_space<hbm>>) target_semaphore(%run_scoped3A : memref<!tpu.dma_semaphore, #tpu.memory_space<semaphore_mem>>)
      %dma_wait3A_19 = arith.constant 0 : i32
      %dma_wait3A_20 = tpu.memref_slice %arg6[%add3A_4, %dma_wait3A_19] : memref<2048x512xi32, #tpu.memory_space<hbm>> -> memref<64x512xi32, #tpu.memory_space<hbm>>
      %dma_wait3A_21 = arith.constant 0 : i32
      %dma_wait3A_22 = tpu.memref_slice %arg6[%add3A_4, %dma_wait3A_21] : memref<2048x512xi32, #tpu.memory_space<hbm>> -> memref<64x512xi32, #tpu.memory_space<hbm>>
      tpu.wait_dma2 semaphore(%run_scoped3A : memref<!tpu.dma_semaphore, #tpu.memory_space<semaphore_mem>>) src(%arg8 : memref<64x512xi32, #tpu.memory_space<vmem>>) dst(%dma_wait3A_22 : memref<64x512xi32, #tpu.memory_space<hbm>>)
      tpu.yield
    }) : () -> ()
    return
  }
}

#map = affine_map<(d0, d1) -> (0, 0)>
#map1 = affine_map<(d0, d1) -> (0)>
module attributes {stable_mosaic.version = 14 : i64} {
  func.func @_scatter_body(%arg0: i32, %arg1: i32, %arg2: memref<2048x512xi32, #tpu.memory_space<hbm>>, %arg3: memref<2048xi32, #tpu.memory_space<hbm>>, %arg4: memref<2048xi32, #tpu.memory_space<hbm>>, %arg5: memref<5120x512xi32, #tpu.memory_space<hbm>>, %arg6: memref<64x512xi32, #tpu.memory_space<vmem>>, %arg7: memref<64xi32, #tpu.memory_space<vmem>>, %arg8: memref<64xi32, #tpu.memory_space<vmem>>, %arg9: memref<!tpu.dma_semaphore, #tpu.memory_space<semaphore_mem>>) attributes {dimension_semantics = [#tpu.dimension_semantics<core_parallel>, #tpu.dimension_semantics<subcore_parallel>], iteration_bounds = array<i64: 2, 16>, scalar_prefetch = 0 : i64, scratch_operands = 4 : i64, tpu.core_type = #tpu.core_type<sc_vector_subcore>, window_params = [{transform_indices = #map}, {transform_indices = #map1}, {transform_indices = #map1}, {transform_indices = #map}]} {
    %mul3A = arith.constant 2 : i32
    %mul3A_0 = arith.muli %arg1, %mul3A : i32
    %add3A = arith.addi %mul3A_0, %arg0 : i32
    %mul3A_1 = arith.constant 64 : i32
    %mul3A_2 = arith.muli %add3A, %mul3A_1 : i32
    "tpu.region"() ({
      %run_scoped3A = tpu.sem_alloc : memref<!tpu.dma_semaphore, #tpu.memory_space<semaphore_mem>>
      %dma_start3A_13 = tpu.memref_slice %arg3[%mul3A_2] : memref<2048xi32, #tpu.memory_space<hbm>> -> memref<64xi32, #tpu.memory_space<hbm>>
      %dma_start3A_14 = tpu.memref_slice %arg3[%mul3A_2] : memref<2048xi32, #tpu.memory_space<hbm>> -> memref<64xi32, #tpu.memory_space<hbm>>
      tpu.enqueue_dma source(%dma_start3A_14 : memref<64xi32, #tpu.memory_space<hbm>>) target(%arg7 : memref<64xi32, #tpu.memory_space<vmem>>) target_semaphore(%run_scoped3A : memref<!tpu.dma_semaphore, #tpu.memory_space<semaphore_mem>>)
      %dma_wait3A_15 = tpu.memref_slice %arg3[%mul3A_2] : memref<2048xi32, #tpu.memory_space<hbm>> -> memref<64xi32, #tpu.memory_space<hbm>>
      %dma_wait3A_16 = tpu.memref_slice %arg3[%mul3A_2] : memref<2048xi32, #tpu.memory_space<hbm>> -> memref<64xi32, #tpu.memory_space<hbm>>
      tpu.wait_dma2 semaphore(%run_scoped3A : memref<!tpu.dma_semaphore, #tpu.memory_space<semaphore_mem>>) src(%dma_wait3A_16 : memref<64xi32, #tpu.memory_space<hbm>>) dst(%arg7 : memref<64xi32, #tpu.memory_space<vmem>>)
      tpu.yield
    }) : () -> ()
    "tpu.region"() ({
      %run_scoped3A = tpu.sem_alloc : memref<!tpu.dma_semaphore, #tpu.memory_space<semaphore_mem>>
      %dma_start3A_13 = tpu.memref_slice %arg4[%mul3A_2] : memref<2048xi32, #tpu.memory_space<hbm>> -> memref<64xi32, #tpu.memory_space<hbm>>
      %dma_start3A_14 = tpu.memref_slice %arg4[%mul3A_2] : memref<2048xi32, #tpu.memory_space<hbm>> -> memref<64xi32, #tpu.memory_space<hbm>>
      tpu.enqueue_dma source(%dma_start3A_14 : memref<64xi32, #tpu.memory_space<hbm>>) target(%arg8 : memref<64xi32, #tpu.memory_space<vmem>>) target_semaphore(%run_scoped3A : memref<!tpu.dma_semaphore, #tpu.memory_space<semaphore_mem>>)
      %dma_wait3A_15 = tpu.memref_slice %arg4[%mul3A_2] : memref<2048xi32, #tpu.memory_space<hbm>> -> memref<64xi32, #tpu.memory_space<hbm>>
      %dma_wait3A_16 = tpu.memref_slice %arg4[%mul3A_2] : memref<2048xi32, #tpu.memory_space<hbm>> -> memref<64xi32, #tpu.memory_space<hbm>>
      tpu.wait_dma2 semaphore(%run_scoped3A : memref<!tpu.dma_semaphore, #tpu.memory_space<semaphore_mem>>) src(%dma_wait3A_16 : memref<64xi32, #tpu.memory_space<hbm>>) dst(%arg8 : memref<64xi32, #tpu.memory_space<vmem>>)
      tpu.yield
    }) : () -> ()
    "tpu.region"() ({
      %run_scoped3A = tpu.sem_alloc : memref<!tpu.dma_semaphore, #tpu.memory_space<semaphore_mem>>
      %dma_start3A_13 = arith.constant 0 : i32
      %dma_start3A_14 = tpu.memref_slice %arg2[%mul3A_2, %dma_start3A_13] : memref<2048x512xi32, #tpu.memory_space<hbm>> -> memref<64x512xi32, #tpu.memory_space<hbm>>
      %dma_start3A_15 = arith.constant 0 : i32
      %dma_start3A_16 = tpu.memref_slice %arg2[%mul3A_2, %dma_start3A_15] : memref<2048x512xi32, #tpu.memory_space<hbm>> -> memref<64x512xi32, #tpu.memory_space<hbm>>
      tpu.enqueue_dma source(%dma_start3A_16 : memref<64x512xi32, #tpu.memory_space<hbm>>) target(%arg6 : memref<64x512xi32, #tpu.memory_space<vmem>>) target_semaphore(%run_scoped3A : memref<!tpu.dma_semaphore, #tpu.memory_space<semaphore_mem>>)
      %dma_wait3A_17 = arith.constant 0 : i32
      %dma_wait3A_18 = tpu.memref_slice %arg2[%mul3A_2, %dma_wait3A_17] : memref<2048x512xi32, #tpu.memory_space<hbm>> -> memref<64x512xi32, #tpu.memory_space<hbm>>
      %dma_wait3A_19 = arith.constant 0 : i32
      %dma_wait3A_20 = tpu.memref_slice %arg2[%mul3A_2, %dma_wait3A_19] : memref<2048x512xi32, #tpu.memory_space<hbm>> -> memref<64x512xi32, #tpu.memory_space<hbm>>
      tpu.wait_dma2 semaphore(%run_scoped3A : memref<!tpu.dma_semaphore, #tpu.memory_space<semaphore_mem>>) src(%dma_wait3A_20 : memref<64x512xi32, #tpu.memory_space<hbm>>) dst(%arg6 : memref<64x512xi32, #tpu.memory_space<vmem>>)
      tpu.yield
    }) : () -> ()
    %dma_start3A = arith.constant 0 : i32
    %dma_start3A_3 = arith.constant 0 : i32
    %dma_start3A_4 = tpu.memref_slice %arg5[%dma_start3A, %dma_start3A_3] : memref<5120x512xi32, #tpu.memory_space<hbm>> -> memref<5120x512xi32, #tpu.memory_space<hbm>>
    tpu.enqueue_indirect_dma source(%arg6 : memref<64x512xi32, #tpu.memory_space<vmem>>) target(%dma_start3A_4 : memref<5120x512xi32, #tpu.memory_space<hbm>>) offsets(%arg7 : memref<64xi32, #tpu.memory_space<vmem>>) semaphore(%arg9 : memref<!tpu.dma_semaphore, #tpu.memory_space<semaphore_mem>>)
    %dma_start3A_5 = arith.constant 0 : i32
    %dma_start3A_6 = arith.constant 0 : i32
    %dma_start3A_7 = tpu.memref_slice %arg5[%dma_start3A_5, %dma_start3A_6] : memref<5120x512xi32, #tpu.memory_space<hbm>> -> memref<5120x512xi32, #tpu.memory_space<hbm>>
    tpu.enqueue_indirect_dma source(%arg6 : memref<64x512xi32, #tpu.memory_space<vmem>>) target(%dma_start3A_7 : memref<5120x512xi32, #tpu.memory_space<hbm>>) offsets(%arg8 : memref<64xi32, #tpu.memory_space<vmem>>) semaphore(%arg9 : memref<!tpu.dma_semaphore, #tpu.memory_space<semaphore_mem>>)
    %dma_wait3A = arith.constant 0 : i32
    %dma_wait3A_8 = arith.constant 0 : i32
    %dma_wait3A_9 = tpu.memref_slice %arg5[%dma_wait3A, %dma_wait3A_8] : memref<5120x512xi32, #tpu.memory_space<hbm>> -> memref<5120x512xi32, #tpu.memory_space<hbm>>
    tpu.wait_indirect_dma semaphore(%arg9 : memref<!tpu.dma_semaphore, #tpu.memory_space<semaphore_mem>>) src(%arg6 : memref<64x512xi32, #tpu.memory_space<vmem>>) dst(%dma_wait3A_9 : memref<5120x512xi32, #tpu.memory_space<hbm>>)
    %dma_wait3A_10 = arith.constant 0 : i32
    %dma_wait3A_11 = arith.constant 0 : i32
    %dma_wait3A_12 = tpu.memref_slice %arg5[%dma_wait3A_10, %dma_wait3A_11] : memref<5120x512xi32, #tpu.memory_space<hbm>> -> memref<5120x512xi32, #tpu.memory_space<hbm>>
    tpu.wait_indirect_dma semaphore(%arg9 : memref<!tpu.dma_semaphore, #tpu.memory_space<semaphore_mem>>) src(%arg6 : memref<64x512xi32, #tpu.memory_space<vmem>>) dst(%dma_wait3A_12 : memref<5120x512xi32, #tpu.memory_space<hbm>>)
    return
  }
}

module attributes {stable_mosaic.version = 14 : i64} {
  func.func @_gate_body(%arg0: memref<2048x1024xf32, #tpu.memory_space<vmem>>, %arg1: memref<1024x8xf32, #tpu.memory_space<vmem>>, %arg2: memref<2048x1xi32, #tpu.memory_space<vmem>>, %arg3: memref<2048x1xi32, #tpu.memory_space<vmem>>, %arg4: memref<2048x1xf32, #tpu.memory_space<vmem>>, %arg5: memref<2048x1xf32, #tpu.memory_space<vmem>>, %arg6: memref<1x40xi32, #tpu.memory_space<vmem>>, %arg7: memref<2048x512xi32, #tpu.memory_space<vmem>>) attributes {dimension_semantics = [], scalar_prefetch = 0 : i64, scratch_operands = 0 : i64, tpu.core_type = #tpu.core_type<tc>} {
    %get3A = arith.constant 0 : index
    %get3A_0 = arith.constant 0 : index
    %get3A_1 = vector.load %arg0[%get3A, %get3A_0] : memref<2048x1024xf32, #tpu.memory_space<vmem>>, vector<2048x1024xf32>
    %get3A_2 = arith.constant 0 : index
    %get3A_3 = arith.constant 0 : index
    %get3A_4 = vector.load %arg1[%get3A_2, %get3A_3] : memref<1024x8xf32, #tpu.memory_space<vmem>>, vector<1024x8xf32>
    %dot_general3A = arith.constant dense<0.000000e+00> : vector<2048x8xf32>
    %dot_general3A_5 = tpu.matmul %get3A_1, %get3A_4, %dot_general3A {dimension_numbers = #tpu.dot_dimension_numbers<[1], [0], [0], [1], [0, 0, 1, 1], [], []>, transpose_lhs_hint = false} : vector<2048x1024xf32>, vector<1024x8xf32>, vector<2048x8xf32> -> vector<2048x8xf32>
    %iota3A = tpu.iota {dimensions = array<i32: 1>} : vector<2048x8xi32>
    %reduce_max3A = arith.constant dense<0xFF800000> : vector<2048xf32>
    %reduce_max3A_6 = vector.multi_reduction <maximumf>, %dot_general3A_5, %reduce_max3A [1] : vector<2048x8xf32> to vector<2048xf32>
    %broadcast_in_dim3A = vector.shape_cast %reduce_max3A_6 : vector<2048xf32> to vector<2048x1xf32>
    %eq3A = vector.broadcast %broadcast_in_dim3A : vector<2048x1xf32> to vector<2048x8xf32>
    %eq3A_7 = arith.cmpf oeq, %dot_general3A_5, %eq3A : vector<2048x8xf32>
    %jit3A = arith.constant 8 : i32
    %broadcast_in_dim3A_8 = vector.broadcast %jit3A : i32 to vector<2048x8xi32>
    %select_n3A = arith.select %eq3A_7, %iota3A, %broadcast_in_dim3A_8 : vector<2048x8xi1>, vector<2048x8xi32>
    %reduce_min3A = arith.constant dense<2147483647> : vector<2048xi32>
    %reduce_min3A_9 = vector.multi_reduction <minsi>, %select_n3A, %reduce_min3A [1] : vector<2048x8xi32> to vector<2048xi32>
    %broadcast_in_dim3A_10 = vector.shape_cast %reduce_min3A_9 : vector<2048xi32> to vector<2048x1xi32>
    %eq3A_11 = vector.broadcast %broadcast_in_dim3A_10 : vector<2048x1xi32> to vector<2048x8xi32>
    %eq3A_12 = arith.cmpi eq, %iota3A, %eq3A_11 : vector<2048x8xi32>
    %jit3A_13 = arith.constant 0xFF800000 : f32
    %broadcast_in_dim3A_14 = vector.broadcast %jit3A_13 : f32 to vector<2048x8xf32>
    %select_n3A_15 = arith.select %eq3A_12, %broadcast_in_dim3A_14, %dot_general3A_5 : vector<2048x8xi1>, vector<2048x8xf32>
    %reduce_max3A_16 = arith.constant dense<0xFF800000> : vector<2048xf32>
    %reduce_max3A_17 = vector.multi_reduction <maximumf>, %select_n3A_15, %reduce_max3A_16 [1] : vector<2048x8xf32> to vector<2048xf32>
    %broadcast_in_dim3A_18 = vector.shape_cast %reduce_max3A_17 : vector<2048xf32> to vector<2048x1xf32>
    %eq3A_19 = vector.broadcast %broadcast_in_dim3A_18 : vector<2048x1xf32> to vector<2048x8xf32>
    %eq3A_20 = arith.cmpf oeq, %select_n3A_15, %eq3A_19 : vector<2048x8xf32>
    %jit3A_21 = arith.constant 8 : i32
    %broadcast_in_dim3A_22 = vector.broadcast %jit3A_21 : i32 to vector<2048x8xi32>
    %select_n3A_23 = arith.select %eq3A_20, %iota3A, %broadcast_in_dim3A_22 : vector<2048x8xi1>, vector<2048x8xi32>
    %reduce_min3A_24 = arith.constant dense<2147483647> : vector<2048xi32>
    %reduce_min3A_25 = vector.multi_reduction <minsi>, %select_n3A_23, %reduce_min3A_24 [1] : vector<2048x8xi32> to vector<2048xi32>
    %broadcast_in_dim3A_26 = vector.shape_cast %reduce_min3A_25 : vector<2048xi32> to vector<2048x1xi32>
    %sub3A = arith.subf %broadcast_in_dim3A_18, %broadcast_in_dim3A : vector<2048x1xf32>
    %exp3A = math.exp %sub3A : vector<2048x1xf32>
    %add3A = arith.constant 1.000000e+00 : f32
    %add3A_27 = vector.broadcast %add3A : f32 to vector<2048x1xf32>
    %add3A_28 = arith.addf %add3A_27, %exp3A : vector<2048x1xf32>
    %div3A = arith.constant 1.000000e+00 : f32
    %div3A_29 = vector.broadcast %div3A : f32 to vector<2048x1xf32>
    %div3A_30 = arith.divf %div3A_29, %add3A_28 : vector<2048x1xf32>
    %swap3A = arith.constant 0 : index
    %swap3A_31 = arith.constant 0 : index
    %swap3A_32 = vector.load %arg4[%swap3A, %swap3A_31] : memref<2048x1xf32, #tpu.memory_space<vmem>>, vector<2048x1xf32>
    tpu.vector_store %arg4[%swap3A, %swap3A_31], %div3A_30 {strides = array<i32>} : memref<2048x1xf32, #tpu.memory_space<vmem>>, vector<2048x1xf32>,
    %add3A_33 = arith.constant 1.000000e+00 : f32
    %add3A_34 = vector.broadcast %add3A_33 : f32 to vector<2048x1xf32>
    %add3A_35 = arith.addf %add3A_34, %exp3A : vector<2048x1xf32>
    %div3A_36 = arith.divf %exp3A, %add3A_35 : vector<2048x1xf32>
    %swap3A_37 = arith.constant 0 : index
    %swap3A_38 = arith.constant 0 : index
    %swap3A_39 = vector.load %arg5[%swap3A_37, %swap3A_38] : memref<2048x1xf32, #tpu.memory_space<vmem>>, vector<2048x1xf32>
    tpu.vector_store %arg5[%swap3A_37, %swap3A_38], %div3A_36 {strides = array<i32>} : memref<2048x1xf32, #tpu.memory_space<vmem>>, vector<2048x1xf32>,
    %eq3A_40 = vector.broadcast %broadcast_in_dim3A_10 : vector<2048x1xi32> to vector<2048x8xi32>
    %eq3A_41 = arith.cmpi eq, %iota3A, %eq3A_40 : vector<2048x8xi32>
    %convert_element_type3A = arith.extui %eq3A_41 : vector<2048x8xi1> to vector<2048x8xi32>
    %convert_element_type3A_42 = arith.sitofp %convert_element_type3A : vector<2048x8xi32> to vector<2048x8xf32>
    %eq3A_43 = vector.broadcast %broadcast_in_dim3A_26 : vector<2048x1xi32> to vector<2048x8xi32>
    %eq3A_44 = arith.cmpi eq, %iota3A, %eq3A_43 : vector<2048x8xi32>
    %convert_element_type3A_45 = arith.extui %eq3A_44 : vector<2048x8xi1> to vector<2048x8xi32>
    %convert_element_type3A_46 = arith.sitofp %convert_element_type3A_45 : vector<2048x8xi32> to vector<2048x8xf32>
    %add3A_47 = arith.addf %convert_element_type3A_42, %convert_element_type3A_46 : vector<2048x8xf32>
    %iota3A_48 = tpu.iota {dimensions = array<i32: 0>} : vector<2048x2048xi32>
    %iota3A_49 = tpu.iota {dimensions = array<i32: 1>} : vector<2048x2048xi32>
    %ge3A = arith.cmpi sge, %iota3A_48, %iota3A_49 : vector<2048x2048xi32>
    %convert_element_type3A_50 = arith.extui %ge3A : vector<2048x2048xi1> to vector<2048x2048xi32>
    %convert_element_type3A_51 = arith.sitofp %convert_element_type3A_50 : vector<2048x2048xi32> to vector<2048x2048xf32>
    %convert_element_type3A_52 = arith.truncf %convert_element_type3A_51 : vector<2048x2048xf32> to vector<2048x2048xbf16>
    %convert_element_type3A_53 = arith.truncf %add3A_47 : vector<2048x8xf32> to vector<2048x8xbf16>
    %dot_general3A_54 = arith.constant dense<0.000000e+00> : vector<2048x8xf32>
    %dot_general3A_55 = tpu.matmul %convert_element_type3A_52, %convert_element_type3A_53, %dot_general3A_54 {dimension_numbers = #tpu.dot_dimension_numbers<[1], [0], [0], [1], [0, 0, 1, 1], [], []>, transpose_lhs_hint = false} : vector<2048x2048xbf16>, vector<2048x8xbf16>, vector<2048x8xf32> -> vector<2048x8xf32>
    %sub3A_56 = arith.subf %dot_general3A_55, %add3A_47 : vector<2048x8xf32>
    %slice3A = vector.extract_strided_slice %dot_general3A_55 {offsets = [2047, 0], sizes = [1, 8], strides = [1, 1]} : vector<2048x8xf32> to vector<1x8xf32>
    %add3A_57 = arith.constant 1.270000e+02 : f32
    %add3A_58 = vector.broadcast %add3A_57 : f32 to vector<1x8xf32>
    %add3A_59 = arith.addf %slice3A, %add3A_58 : vector<1x8xf32>
    %mul3A = arith.constant 7.812500e-03 : f32
    %mul3A_60 = vector.broadcast %mul3A : f32 to vector<1x8xf32>
    %mul3A_61 = arith.mulf %add3A_59, %mul3A_60 : vector<1x8xf32>
    %floor3A = math.floor %mul3A_61 : vector<1x8xf32>
    %iota3A_62 = tpu.iota {dimensions = array<i32: 0>} : vector<8x8xi32>
    %iota3A_63 = tpu.iota {dimensions = array<i32: 1>} : vector<8x8xi32>
    %lt3A = arith.cmpi slt, %iota3A_62, %iota3A_63 : vector<8x8xi32>
    %convert_element_type3A_64 = arith.extui %lt3A : vector<8x8xi1> to vector<8x8xi32>
    %convert_element_type3A_65 = arith.sitofp %convert_element_type3A_64 : vector<8x8xi32> to vector<8x8xf32>
    %dot_general3A_66 = arith.constant dense<0.000000e+00> : vector<1x8xf32>
    %dot_general3A_67 = tpu.matmul %floor3A, %convert_element_type3A_65, %dot_general3A_66 {dimension_numbers = #tpu.dot_dimension_numbers<[1], [0], [0], [1], [0, 0, 1, 1], [], []>, transpose_lhs_hint = false} : vector<1x8xf32>, vector<8x8xf32>, vector<1x8xf32> -> vector<1x8xf32>
    %mul3A_68 = arith.constant 1.280000e+02 : f32
    %mul3A_69 = vector.broadcast %mul3A_68 : f32 to vector<1x8xf32>
    %mul3A_70 = arith.mulf %dot_general3A_67, %mul3A_69 : vector<1x8xf32>
    %add3A_71 = vector.broadcast %mul3A_70 : vector<1x8xf32> to vector<2048x8xf32>
    %add3A_72 = arith.addf %add3A_71, %sub3A_56 : vector<2048x8xf32>
    %mul3A_73 = arith.mulf %convert_element_type3A_42, %add3A_72 : vector<2048x8xf32>
    %reduce_sum3A = arith.constant dense<0.000000e+00> : vector<2048xf32>
    %reduce_sum3A_74 = vector.multi_reduction <add>, %mul3A_73, %reduce_sum3A [1] : vector<2048x8xf32> to vector<2048xf32>
    %broadcast_in_dim3A_75 = vector.shape_cast %reduce_sum3A_74 : vector<2048xf32> to vector<2048x1xf32>
    %add3A_76 = vector.broadcast %mul3A_70 : vector<1x8xf32> to vector<2048x8xf32>
    %add3A_77 = arith.addf %add3A_76, %sub3A_56 : vector<2048x8xf32>
    %mul3A_78 = arith.mulf %convert_element_type3A_46, %add3A_77 : vector<2048x8xf32>
    %reduce_sum3A_79 = arith.constant dense<0.000000e+00> : vector<2048xf32>
    %reduce_sum3A_80 = vector.multi_reduction <add>, %mul3A_78, %reduce_sum3A_79 [1] : vector<2048x8xf32> to vector<2048xf32>
    %broadcast_in_dim3A_81 = vector.shape_cast %reduce_sum3A_80 : vector<2048xf32> to vector<2048x1xf32>
    %convert_element_type3A_82 = arith.fptosi %broadcast_in_dim3A_75 : vector<2048x1xf32> to vector<2048x1xi32>
    %swap3A_83 = arith.constant 0 : index
    %swap3A_84 = arith.constant 0 : index
    %swap3A_85 = vector.load %arg2[%swap3A_83, %swap3A_84] : memref<2048x1xi32, #tpu.memory_space<vmem>>, vector<2048x1xi32>
    tpu.vector_store %arg2[%swap3A_83, %swap3A_84], %convert_element_type3A_82 {strides = array<i32>} : memref<2048x1xi32, #tpu.memory_space<vmem>>, vector<2048x1xi32>,
    %convert_element_type3A_86 = arith.fptosi %broadcast_in_dim3A_81 : vector<2048x1xf32> to vector<2048x1xi32>
    %swap3A_87 = arith.constant 0 : index
    %swap3A_88 = arith.constant 0 : index
    %swap3A_89 = vector.load %arg3[%swap3A_87, %swap3A_88] : memref<2048x1xi32, #tpu.memory_space<vmem>>, vector<2048x1xi32>
    tpu.vector_store %arg3[%swap3A_87, %swap3A_88], %convert_element_type3A_86 {strides = array<i32>} : memref<2048x1xi32, #tpu.memory_space<vmem>>, vector<2048x1xi32>,
    %iota3A_90 = tpu.iota {dimensions = array<i32: 1>} : vector<1x40xi32>
    %convert_element_type3A_91 = arith.sitofp %iota3A_90 : vector<1x40xi32> to vector<1x40xf32>
    %broadcast_in_dim3A_92 = arith.constant 0.000000e+00 : f32
    %broadcast_in_dim3A_93 = vector.broadcast %broadcast_in_dim3A_92 : f32 to vector<1x40xf32>
    %slice3A_94 = vector.extract_strided_slice %dot_general3A_67 {offsets = [0, 0], sizes = [1, 1], strides = [1, 1]} : vector<1x8xf32> to vector<1x1xf32>
    %ge3A_95 = vector.broadcast %slice3A_94 : vector<1x1xf32> to vector<1x40xf32>
    %ge3A_96 = arith.cmpf oge, %convert_element_type3A_91, %ge3A_95 : vector<1x40xf32>
    %convert_element_type3A_97 = arith.extui %ge3A_96 : vector<1x40xi1> to vector<1x40xi32>
    %convert_element_type3A_98 = arith.sitofp %convert_element_type3A_97 : vector<1x40xi32> to vector<1x40xf32>
    %add3A_99 = arith.addf %broadcast_in_dim3A_93, %convert_element_type3A_98 : vector<1x40xf32>
    %slice3A_100 = vector.extract_strided_slice %dot_general3A_67 {offsets = [0, 1], sizes = [1, 1], strides = [1, 1]} : vector<1x8xf32> to vector<1x1xf32>
    %ge3A_101 = vector.broadcast %slice3A_100 : vector<1x1xf32> to vector<1x40xf32>
    %ge3A_102 = arith.cmpf oge, %convert_element_type3A_91, %ge3A_101 : vector<1x40xf32>
    %convert_element_type3A_103 = arith.extui %ge3A_102 : vector<1x40xi1> to vector<1x40xi32>
    %convert_element_type3A_104 = arith.sitofp %convert_element_type3A_103 : vector<1x40xi32> to vector<1x40xf32>
    %add3A_105 = arith.addf %add3A_99, %convert_element_type3A_104 : vector<1x40xf32>
    %slice3A_106 = vector.extract_strided_slice %dot_general3A_67 {offsets = [0, 2], sizes = [1, 1], strides = [1, 1]} : vector<1x8xf32> to vector<1x1xf32>
    %ge3A_107 = vector.broadcast %slice3A_106 : vector<1x1xf32> to vector<1x40xf32>
    %ge3A_108 = arith.cmpf oge, %convert_element_type3A_91, %ge3A_107 : vector<1x40xf32>
    %convert_element_type3A_109 = arith.extui %ge3A_108 : vector<1x40xi1> to vector<1x40xi32>
    %convert_element_type3A_110 = arith.sitofp %convert_element_type3A_109 : vector<1x40xi32> to vector<1x40xf32>
    %add3A_111 = arith.addf %add3A_105, %convert_element_type3A_110 : vector<1x40xf32>
    %slice3A_112 = vector.extract_strided_slice %dot_general3A_67 {offsets = [0, 3], sizes = [1, 1], strides = [1, 1]} : vector<1x8xf32> to vector<1x1xf32>
    %ge3A_113 = vector.broadcast %slice3A_112 : vector<1x1xf32> to vector<1x40xf32>
    %ge3A_114 = arith.cmpf oge, %convert_element_type3A_91, %ge3A_113 : vector<1x40xf32>
    %convert_element_type3A_115 = arith.extui %ge3A_114 : vector<1x40xi1> to vector<1x40xi32>
    %convert_element_type3A_116 = arith.sitofp %convert_element_type3A_115 : vector<1x40xi32> to vector<1x40xf32>
    %add3A_117 = arith.addf %add3A_111, %convert_element_type3A_116 : vector<1x40xf32>
    %slice3A_118 = vector.extract_strided_slice %dot_general3A_67 {offsets = [0, 4], sizes = [1, 1], strides = [1, 1]} : vector<1x8xf32> to vector<1x1xf32>
    %ge3A_119 = vector.broadcast %slice3A_118 : vector<1x1xf32> to vector<1x40xf32>
    %ge3A_120 = arith.cmpf oge, %convert_element_type3A_91, %ge3A_119 : vector<1x40xf32>
    %convert_element_type3A_121 = arith.extui %ge3A_120 : vector<1x40xi1> to vector<1x40xi32>
    %convert_element_type3A_122 = arith.sitofp %convert_element_type3A_121 : vector<1x40xi32> to vector<1x40xf32>
    %add3A_123 = arith.addf %add3A_117, %convert_element_type3A_122 : vector<1x40xf32>
    %slice3A_124 = vector.extract_strided_slice %dot_general3A_67 {offsets = [0, 5], sizes = [1, 1], strides = [1, 1]} : vector<1x8xf32> to vector<1x1xf32>
    %ge3A_125 = vector.broadcast %slice3A_124 : vector<1x1xf32> to vector<1x40xf32>
    %ge3A_126 = arith.cmpf oge, %convert_element_type3A_91, %ge3A_125 : vector<1x40xf32>
    %convert_element_type3A_127 = arith.extui %ge3A_126 : vector<1x40xi1> to vector<1x40xi32>
    %convert_element_type3A_128 = arith.sitofp %convert_element_type3A_127 : vector<1x40xi32> to vector<1x40xf32>
    %add3A_129 = arith.addf %add3A_123, %convert_element_type3A_128 : vector<1x40xf32>
    %slice3A_130 = vector.extract_strided_slice %dot_general3A_67 {offsets = [0, 6], sizes = [1, 1], strides = [1, 1]} : vector<1x8xf32> to vector<1x1xf32>
    %ge3A_131 = vector.broadcast %slice3A_130 : vector<1x1xf32> to vector<1x40xf32>
    %ge3A_132 = arith.cmpf oge, %convert_element_type3A_91, %ge3A_131 : vector<1x40xf32>
    %convert_element_type3A_133 = arith.extui %ge3A_132 : vector<1x40xi1> to vector<1x40xi32>
    %convert_element_type3A_134 = arith.sitofp %convert_element_type3A_133 : vector<1x40xi32> to vector<1x40xf32>
    %add3A_135 = arith.addf %add3A_129, %convert_element_type3A_134 : vector<1x40xf32>
    %slice3A_136 = vector.extract_strided_slice %dot_general3A_67 {offsets = [0, 7], sizes = [1, 1], strides = [1, 1]} : vector<1x8xf32> to vector<1x1xf32>
    %ge3A_137 = vector.broadcast %slice3A_136 : vector<1x1xf32> to vector<1x40xf32>
    %ge3A_138 = arith.cmpf oge, %convert_element_type3A_91, %ge3A_137 : vector<1x40xf32>
    %convert_element_type3A_139 = arith.extui %ge3A_138 : vector<1x40xi1> to vector<1x40xi32>
    %convert_element_type3A_140 = arith.sitofp %convert_element_type3A_139 : vector<1x40xi32> to vector<1x40xf32>
    %add3A_141 = arith.addf %add3A_135, %convert_element_type3A_140 : vector<1x40xf32>
    %sub3A_142 = arith.constant 1.000000e+00 : f32
    %sub3A_143 = vector.broadcast %sub3A_142 : f32 to vector<1x40xf32>
    %sub3A_144 = arith.subf %add3A_141, %sub3A_143 : vector<1x40xf32>
    %jit3A_145 = arith.constant 0.000000e+00 : f32
    %jit3A_146 = arith.constant 7.000000e+00 : f32
    %max3A = vector.broadcast %jit3A_145 : f32 to vector<1x40xf32>
    %max3A_147 = arith.maximumf %max3A, %sub3A_144 : vector<1x40xf32>
    %min3A = vector.broadcast %jit3A_146 : f32 to vector<1x40xf32>
    %min3A_148 = arith.minimumf %min3A, %max3A_147 : vector<1x40xf32>
    %convert_element_type3A_149 = arith.fptosi %min3A_148 : vector<1x40xf32> to vector<1x40xi32>
    %swap3A_150 = arith.constant 0 : index
    %swap3A_151 = arith.constant 0 : index
    %swap3A_152 = vector.load %arg6[%swap3A_150, %swap3A_151] : memref<1x40xi32, #tpu.memory_space<vmem>>, vector<1x40xi32>
    tpu.vector_store %arg6[%swap3A_150, %swap3A_151], %convert_element_type3A_149 {strides = array<i32>} : memref<1x40xi32, #tpu.memory_space<vmem>>, vector<1x40xi32>,
    %convert_element_type3A_153 = arith.truncf %get3A_1 : vector<2048x1024xf32> to vector<2048x1024xbf16>
    %convert_element_type3A_154 = arith.extf %convert_element_type3A_153 : vector<2048x1024xbf16> to vector<2048x1024xf32>
    %bitcast_convert_type3A = tpu.bitcast %convert_element_type3A_154 : vector<2048x1024xf32> -> vector<2048x1024xi32>
    %slice3A_155 = vector.extract_strided_slice %bitcast_convert_type3A {offsets = [0, 0], sizes = [2048, 512], strides = [1, 1]} : vector<2048x1024xi32> to vector<2048x512xi32>
    %shift_right_logical3A = arith.constant 16 : i32
    %shift_right_logical3A_156 = vector.broadcast %shift_right_logical3A : i32 to vector<2048x512xi32>
    %shift_right_logical3A_157 = arith.shrui %slice3A_155, %shift_right_logical3A_156 : vector<2048x512xi32>
    %slice3A_158 = vector.extract_strided_slice %bitcast_convert_type3A {offsets = [0, 512], sizes = [2048, 512], strides = [1, 1]} : vector<2048x1024xi32> to vector<2048x512xi32>
    %and3A = arith.constant -65536 : i32
    %and3A_159 = vector.broadcast %and3A : i32 to vector<2048x512xi32>
    %and3A_160 = arith.andi %slice3A_158, %and3A_159 : vector<2048x512xi32>
    %or3A = arith.ori %shift_right_logical3A_157, %and3A_160 : vector<2048x512xi32>
    %bitcast_convert_type3A_161 = tpu.bitcast %or3A : vector<2048x512xi32> -> vector<2048x512xi32>
    %swap3A_162 = arith.constant 0 : index
    %swap3A_163 = arith.constant 0 : index
    %swap3A_164 = vector.load %arg7[%swap3A_162, %swap3A_163] : memref<2048x512xi32, #tpu.memory_space<vmem>>, vector<2048x512xi32>
    tpu.vector_store %arg7[%swap3A_162, %swap3A_163], %bitcast_convert_type3A_161 {strides = array<i32>} : memref<2048x512xi32, #tpu.memory_space<vmem>>, vector<2048x512xi32>,
    return
  }
}

module attributes {stable_mosaic.version = 14 : i64} {
  func.func @_mlp_body(%arg0: i32, %arg1: memref<40xi32, #tpu.memory_space<smem>>, %arg2: memref<128x512xi32, #tpu.memory_space<vmem>>, %arg3: memref<1x1024x1024xf32, #tpu.memory_space<vmem>>, %arg4: memref<1x1x1024xf32, #tpu.memory_space<vmem>>, %arg5: memref<1x1024x1024xf32, #tpu.memory_space<vmem>>, %arg6: memref<1x1x1024xf32, #tpu.memory_space<vmem>>, %arg7: memref<128x512xi32, #tpu.memory_space<vmem>>) attributes {dimension_semantics = [#tpu.dimension_semantics<arbitrary>], iteration_bounds = array<i64: 40>, scalar_prefetch = 1 : i64, scratch_operands = 0 : i64, tpu.core_type = #tpu.core_type<tc>, window_params = [{transform_indices = @transform_0, window_bounds = array<i64: 128, 512>}, {transform_indices = @transform_1, window_bounds = array<i64: 1, 1024, 1024>}, {transform_indices = @transform_2, window_bounds = array<i64: 1, 1, 1024>}, {transform_indices = @transform_3, window_bounds = array<i64: 1, 1024, 1024>}, {transform_indices = @transform_4, window_bounds = array<i64: 1, 1, 1024>}, {transform_indices = @transform_5, window_bounds = array<i64: 128, 512>}]} {
    %get3A = arith.constant 0 : index
    %get3A_0 = arith.constant 0 : index
    %get3A_1 = vector.load %arg2[%get3A, %get3A_0] : memref<128x512xi32, #tpu.memory_space<vmem>>, vector<128x512xi32>
    %bitcast_convert_type3A = tpu.bitcast %get3A_1 : vector<128x512xi32> -> vector<128x512xi32>
    %shift_left3A = arith.constant 16 : i32
    %shift_left3A_2 = vector.broadcast %shift_left3A : i32 to vector<128x512xi32>
    %shift_left3A_3 = arith.shli %bitcast_convert_type3A, %shift_left3A_2 : vector<128x512xi32>
    %and3A = arith.constant -65536 : i32
    %and3A_4 = vector.broadcast %and3A : i32 to vector<128x512xi32>
    %and3A_5 = arith.andi %bitcast_convert_type3A, %and3A_4 : vector<128x512xi32>
    %bitcast_convert_type3A_6 = tpu.bitcast %shift_left3A_3 : vector<128x512xi32> -> vector<128x512xf32>
    %bitcast_convert_type3A_7 = tpu.bitcast %and3A_5 : vector<128x512xi32> -> vector<128x512xf32>
    %concatenate3A = tpu.concatenate %bitcast_convert_type3A_6, %bitcast_convert_type3A_7 in 1 : vector<128x512xf32>, vector<128x512xf32> -> vector<128x1024xf32>
    %get3A_8 = arith.constant 0 : index
    %get3A_9 = arith.constant 0 : index
    %get3A_10 = arith.constant 0 : index
    %get3A_11 = vector.load %arg3[%get3A_8, %get3A_9, %get3A_10] : memref<1x1024x1024xf32, #tpu.memory_space<vmem>>, vector<1x1024x1024xf32>
    %get3A_12 = vector.shape_cast %get3A_11 : vector<1x1024x1024xf32> to vector<1024x1024xf32>
    %dot_general3A = arith.constant dense<0.000000e+00> : vector<128x1024xf32>
    %dot_general3A_13 = tpu.matmul %concatenate3A, %get3A_12, %dot_general3A {dimension_numbers = #tpu.dot_dimension_numbers<[1], [0], [0], [1], [0, 0, 1, 1], [], []>, transpose_lhs_hint = false} : vector<128x1024xf32>, vector<1024x1024xf32>, vector<128x1024xf32> -> vector<128x1024xf32>
    %get3A_14 = arith.constant 0 : index
    %get3A_15 = arith.constant 0 : index
    %get3A_16 = arith.constant 0 : index
    %get3A_17 = vector.load %arg4[%get3A_14, %get3A_15, %get3A_16] : memref<1x1x1024xf32, #tpu.memory_space<vmem>>, vector<1x1x1024xf32>
    %get3A_18 = vector.shape_cast %get3A_17 : vector<1x1x1024xf32> to vector<1x1024xf32>
    %add3A = vector.broadcast %get3A_18 : vector<1x1024xf32> to vector<128x1024xf32>
    %add3A_19 = arith.addf %dot_general3A_13, %add3A : vector<128x1024xf32>
    %integer_pow3A = arith.mulf %add3A_19, %add3A_19 : vector<128x1024xf32>
    %integer_pow3A_20 = arith.mulf %add3A_19, %integer_pow3A : vector<128x1024xf32>
    %mul3A = arith.constant 4.471500e-02 : f32
    %mul3A_21 = vector.broadcast %mul3A : f32 to vector<128x1024xf32>
    %mul3A_22 = arith.mulf %mul3A_21, %integer_pow3A_20 : vector<128x1024xf32>
    %add3A_23 = arith.addf %add3A_19, %mul3A_22 : vector<128x1024xf32>
    %mul3A_24 = arith.constant 0.797884583 : f32
    %mul3A_25 = vector.broadcast %mul3A_24 : f32 to vector<128x1024xf32>
    %mul3A_26 = arith.mulf %mul3A_25, %add3A_23 : vector<128x1024xf32>
    %tanh3A = math.tanh %mul3A_26 : vector<128x1024xf32>
    %add3A_27 = arith.constant 1.000000e+00 : f32
    %add3A_28 = vector.broadcast %add3A_27 : f32 to vector<128x1024xf32>
    %add3A_29 = arith.addf %add3A_28, %tanh3A : vector<128x1024xf32>
    %mul3A_30 = arith.constant 5.000000e-01 : f32
    %mul3A_31 = vector.broadcast %mul3A_30 : f32 to vector<128x1024xf32>
    %mul3A_32 = arith.mulf %mul3A_31, %add3A_29 : vector<128x1024xf32>
    %mul3A_33 = arith.mulf %add3A_19, %mul3A_32 : vector<128x1024xf32>
    %get3A_34 = arith.constant 0 : index
    %get3A_35 = arith.constant 0 : index
    %get3A_36 = arith.constant 0 : index
    %get3A_37 = vector.load %arg5[%get3A_34, %get3A_35, %get3A_36] : memref<1x1024x1024xf32, #tpu.memory_space<vmem>>, vector<1x1024x1024xf32>
    %get3A_38 = vector.shape_cast %get3A_37 : vector<1x1024x1024xf32> to vector<1024x1024xf32>
    %dot_general3A_39 = arith.constant dense<0.000000e+00> : vector<128x1024xf32>
    %dot_general3A_40 = tpu.matmul %mul3A_33, %get3A_38, %dot_general3A_39 {dimension_numbers = #tpu.dot_dimension_numbers<[1], [0], [0], [1], [0, 0, 1, 1], [], []>, transpose_lhs_hint = false} : vector<128x1024xf32>, vector<1024x1024xf32>, vector<128x1024xf32> -> vector<128x1024xf32>
    %get3A_41 = arith.constant 0 : index
    %get3A_42 = arith.constant 0 : index
    %get3A_43 = arith.constant 0 : index
    %get3A_44 = vector.load %arg6[%get3A_41, %get3A_42, %get3A_43] : memref<1x1x1024xf32, #tpu.memory_space<vmem>>, vector<1x1x1024xf32>
    %get3A_45 = vector.shape_cast %get3A_44 : vector<1x1x1024xf32> to vector<1x1024xf32>
    %add3A_46 = vector.broadcast %get3A_45 : vector<1x1024xf32> to vector<128x1024xf32>
    %add3A_47 = arith.addf %dot_general3A_40, %add3A_46 : vector<128x1024xf32>
    %convert_element_type3A = arith.truncf %add3A_47 : vector<128x1024xf32> to vector<128x1024xbf16>
    %convert_element_type3A_48 = arith.extf %convert_element_type3A : vector<128x1024xbf16> to vector<128x1024xf32>
    %bitcast_convert_type3A_49 = tpu.bitcast %convert_element_type3A_48 : vector<128x1024xf32> -> vector<128x1024xi32>
    %slice3A = vector.extract_strided_slice %bitcast_convert_type3A_49 {offsets = [0, 0], sizes = [128, 512], strides = [1, 1]} : vector<128x1024xi32> to vector<128x512xi32>
    %shift_right_logical3A = arith.constant 16 : i32
    %shift_right_logical3A_50 = vector.broadcast %shift_right_logical3A : i32 to vector<128x512xi32>
    %shift_right_logical3A_51 = arith.shrui %slice3A, %shift_right_logical3A_50 : vector<128x512xi32>
    %slice3A_52 = vector.extract_strided_slice %bitcast_convert_type3A_49 {offsets = [0, 512], sizes = [128, 512], strides = [1, 1]} : vector<128x1024xi32> to vector<128x512xi32>
    %and3A_53 = arith.constant -65536 : i32
    %and3A_54 = vector.broadcast %and3A_53 : i32 to vector<128x512xi32>
    %and3A_55 = arith.andi %slice3A_52, %and3A_54 : vector<128x512xi32>
    %or3A = arith.ori %shift_right_logical3A_51, %and3A_55 : vector<128x512xi32>
    %bitcast_convert_type3A_56 = tpu.bitcast %or3A : vector<128x512xi32> -> vector<128x512xi32>
    %swap3A = arith.constant 0 : index
    %swap3A_57 = arith.constant 0 : index
    %swap3A_58 = vector.load %arg7[%swap3A, %swap3A_57] : memref<128x512xi32, #tpu.memory_space<vmem>>, vector<128x512xi32>
    tpu.vector_store %arg7[%swap3A, %swap3A_57], %bitcast_convert_type3A_56 {strides = array<i32>} : memref<128x512xi32, #tpu.memory_space<vmem>>, vector<128x512xi32>,
    return
  }
  func.func @transform_0(%arg0: i32, %arg1: memref<40xi32, #tpu.memory_space<smem>>) -> (i32, i32) {
    %c0_i32 = arith.constant 0 : i32
    %c0_i32_0 = arith.constant 0 : i32
    return %arg0, %c0_i32 : i32, i32
  }
  func.func @transform_1(%arg0: i32, %arg1: memref<40xi32, #tpu.memory_space<smem>>) -> (i32, i32, i32) {
    %get3A = arith.index_cast %arg0 : i32 to index
    %get3A_0 = memref.load %arg1[%get3A] : memref<40xi32, #tpu.memory_space<smem>>
    %c0_i32 = arith.constant 0 : i32
    %c0_i32_1 = arith.constant 0 : i32
    %c0_i32_2 = arith.constant 0 : i32
    return %get3A_0, %c0_i32, %c0_i32_1 : i32, i32, i32
  }
  func.func @transform_2(%arg0: i32, %arg1: memref<40xi32, #tpu.memory_space<smem>>) -> (i32, i32, i32) {
    %get3A = arith.index_cast %arg0 : i32 to index
    %get3A_0 = memref.load %arg1[%get3A] : memref<40xi32, #tpu.memory_space<smem>>
    %c0_i32 = arith.constant 0 : i32
    %c0_i32_1 = arith.constant 0 : i32
    %c0_i32_2 = arith.constant 0 : i32
    return %get3A_0, %c0_i32, %c0_i32_1 : i32, i32, i32
  }
  func.func @transform_3(%arg0: i32, %arg1: memref<40xi32, #tpu.memory_space<smem>>) -> (i32, i32, i32) {
    %get3A = arith.index_cast %arg0 : i32 to index
    %get3A_0 = memref.load %arg1[%get3A] : memref<40xi32, #tpu.memory_space<smem>>
    %c0_i32 = arith.constant 0 : i32
    %c0_i32_1 = arith.constant 0 : i32
    %c0_i32_2 = arith.constant 0 : i32
    return %get3A_0, %c0_i32, %c0_i32_1 : i32, i32, i32
  }
  func.func @transform_4(%arg0: i32, %arg1: memref<40xi32, #tpu.memory_space<smem>>) -> (i32, i32, i32) {
    %get3A = arith.index_cast %arg0 : i32 to index
    %get3A_0 = memref.load %arg1[%get3A] : memref<40xi32, #tpu.memory_space<smem>>
    %c0_i32 = arith.constant 0 : i32
    %c0_i32_1 = arith.constant 0 : i32
    %c0_i32_2 = arith.constant 0 : i32
    return %get3A_0, %c0_i32, %c0_i32_1 : i32, i32, i32
  }
  func.func @transform_5(%arg0: i32, %arg1: memref<40xi32, #tpu.memory_space<smem>>) -> (i32, i32) {
    %c0_i32 = arith.constant 0 : i32
    %c0_i32_0 = arith.constant 0 : i32
    return %arg0, %c0_i32 : i32, i32
  }
}

module attributes {stable_mosaic.version = 14 : i64} {
  func.func @_shared_body(%arg0: i32, %arg1: memref<256x1024xf32, #tpu.memory_space<vmem>>, %arg2: memref<1024x1024xf32, #tpu.memory_space<vmem>>, %arg3: memref<1x1024xf32, #tpu.memory_space<vmem>>, %arg4: memref<1024x1024xf32, #tpu.memory_space<vmem>>, %arg5: memref<1x1024xf32, #tpu.memory_space<vmem>>, %arg6: memref<256x512xi32, #tpu.memory_space<vmem>>, %arg7: memref<256x512xi32, #tpu.memory_space<vmem>>, %arg8: memref<256x1xf32, #tpu.memory_space<vmem>>, %arg9: memref<256x1xf32, #tpu.memory_space<vmem>>, %arg10: memref<256x1024xf32, #tpu.memory_space<vmem>>) attributes {dimension_semantics = [#tpu.dimension_semantics<arbitrary>], iteration_bounds = array<i64: 8>, scalar_prefetch = 0 : i64, scratch_operands = 0 : i64, tpu.core_type = #tpu.core_type<tc>, window_params = [{transform_indices = @transform_0, window_bounds = array<i64: 256, 1024>}, {pipeline_mode = #tpu.pipeline_mode<synchronous>, transform_indices = @transform_1, window_bounds = array<i64: 1024, 1024>}, {pipeline_mode = #tpu.pipeline_mode<synchronous>, transform_indices = @transform_2, window_bounds = array<i64: 1, 1024>}, {pipeline_mode = #tpu.pipeline_mode<synchronous>, transform_indices = @transform_3, window_bounds = array<i64: 1024, 1024>}, {pipeline_mode = #tpu.pipeline_mode<synchronous>, transform_indices = @transform_4, window_bounds = array<i64: 1, 1024>}, {transform_indices = @transform_5, window_bounds = array<i64: 256, 512>}, {transform_indices = @transform_6, window_bounds = array<i64: 256, 512>}, {transform_indices = @transform_7, window_bounds = array<i64: 256, 1>}, {transform_indices = @transform_8, window_bounds = array<i64: 256, 1>}, {transform_indices = @transform_9, window_bounds = array<i64: 256, 1024>}]} {
    %get3A = arith.constant 0 : index
    %get3A_0 = arith.constant 0 : index
    %get3A_1 = vector.load %arg1[%get3A, %get3A_0] : memref<256x1024xf32, #tpu.memory_space<vmem>>, vector<256x1024xf32>
    %get3A_2 = arith.constant 0 : index
    %get3A_3 = arith.constant 0 : index
    %get3A_4 = vector.load %arg2[%get3A_2, %get3A_3] : memref<1024x1024xf32, #tpu.memory_space<vmem>>, vector<1024x1024xf32>
    %dot_general3A = arith.constant dense<0.000000e+00> : vector<256x1024xf32>
    %dot_general3A_5 = tpu.matmul %get3A_1, %get3A_4, %dot_general3A {dimension_numbers = #tpu.dot_dimension_numbers<[1], [0], [0], [1], [0, 0, 1, 1], [], []>, transpose_lhs_hint = false} : vector<256x1024xf32>, vector<1024x1024xf32>, vector<256x1024xf32> -> vector<256x1024xf32>
    %get3A_6 = arith.constant 0 : index
    %get3A_7 = arith.constant 0 : index
    %get3A_8 = vector.load %arg3[%get3A_6, %get3A_7] : memref<1x1024xf32, #tpu.memory_space<vmem>>, vector<1x1024xf32>
    %add3A = vector.broadcast %get3A_8 : vector<1x1024xf32> to vector<256x1024xf32>
    %add3A_9 = arith.addf %dot_general3A_5, %add3A : vector<256x1024xf32>
    %integer_pow3A = arith.mulf %add3A_9, %add3A_9 : vector<256x1024xf32>
    %integer_pow3A_10 = arith.mulf %add3A_9, %integer_pow3A : vector<256x1024xf32>
    %mul3A = arith.constant 4.471500e-02 : f32
    %mul3A_11 = vector.broadcast %mul3A : f32 to vector<256x1024xf32>
    %mul3A_12 = arith.mulf %mul3A_11, %integer_pow3A_10 : vector<256x1024xf32>
    %add3A_13 = arith.addf %add3A_9, %mul3A_12 : vector<256x1024xf32>
    %mul3A_14 = arith.constant 0.797884583 : f32
    %mul3A_15 = vector.broadcast %mul3A_14 : f32 to vector<256x1024xf32>
    %mul3A_16 = arith.mulf %mul3A_15, %add3A_13 : vector<256x1024xf32>
    %tanh3A = math.tanh %mul3A_16 : vector<256x1024xf32>
    %add3A_17 = arith.constant 1.000000e+00 : f32
    %add3A_18 = vector.broadcast %add3A_17 : f32 to vector<256x1024xf32>
    %add3A_19 = arith.addf %add3A_18, %tanh3A : vector<256x1024xf32>
    %mul3A_20 = arith.constant 5.000000e-01 : f32
    %mul3A_21 = vector.broadcast %mul3A_20 : f32 to vector<256x1024xf32>
    %mul3A_22 = arith.mulf %mul3A_21, %add3A_19 : vector<256x1024xf32>
    %mul3A_23 = arith.mulf %add3A_9, %mul3A_22 : vector<256x1024xf32>
    %get3A_24 = arith.constant 0 : index
    %get3A_25 = arith.constant 0 : index
    %get3A_26 = vector.load %arg4[%get3A_24, %get3A_25] : memref<1024x1024xf32, #tpu.memory_space<vmem>>, vector<1024x1024xf32>
    %dot_general3A_27 = arith.constant dense<0.000000e+00> : vector<256x1024xf32>
    %dot_general3A_28 = tpu.matmul %mul3A_23, %get3A_26, %dot_general3A_27 {dimension_numbers = #tpu.dot_dimension_numbers<[1], [0], [0], [1], [0, 0, 1, 1], [], []>, transpose_lhs_hint = false} : vector<256x1024xf32>, vector<1024x1024xf32>, vector<256x1024xf32> -> vector<256x1024xf32>
    %get3A_29 = arith.constant 0 : index
    %get3A_30 = arith.constant 0 : index
    %get3A_31 = vector.load %arg6[%get3A_29, %get3A_30] : memref<256x512xi32, #tpu.memory_space<vmem>>, vector<256x512xi32>
    %bitcast_convert_type3A = tpu.bitcast %get3A_31 : vector<256x512xi32> -> vector<256x512xi32>
    %shift_left3A = arith.constant 16 : i32
    %shift_left3A_32 = vector.broadcast %shift_left3A : i32 to vector<256x512xi32>
    %shift_left3A_33 = arith.shli %bitcast_convert_type3A, %shift_left3A_32 : vector<256x512xi32>
    %and3A = arith.constant -65536 : i32
    %and3A_34 = vector.broadcast %and3A : i32 to vector<256x512xi32>
    %and3A_35 = arith.andi %bitcast_convert_type3A, %and3A_34 : vector<256x512xi32>
    %bitcast_convert_type3A_36 = tpu.bitcast %shift_left3A_33 : vector<256x512xi32> -> vector<256x512xf32>
    %bitcast_convert_type3A_37 = tpu.bitcast %and3A_35 : vector<256x512xi32> -> vector<256x512xf32>
    %concatenate3A = tpu.concatenate %bitcast_convert_type3A_36, %bitcast_convert_type3A_37 in 1 : vector<256x512xf32>, vector<256x512xf32> -> vector<256x1024xf32>
    %get3A_38 = arith.constant 0 : index
    %get3A_39 = arith.constant 0 : index
    %get3A_40 = vector.load %arg7[%get3A_38, %get3A_39] : memref<256x512xi32, #tpu.memory_space<vmem>>, vector<256x512xi32>
    %bitcast_convert_type3A_41 = tpu.bitcast %get3A_40 : vector<256x512xi32> -> vector<256x512xi32>
    %shift_left3A_42 = arith.constant 16 : i32
    %shift_left3A_43 = vector.broadcast %shift_left3A_42 : i32 to vector<256x512xi32>
    %shift_left3A_44 = arith.shli %bitcast_convert_type3A_41, %shift_left3A_43 : vector<256x512xi32>
    %and3A_45 = arith.constant -65536 : i32
    %and3A_46 = vector.broadcast %and3A_45 : i32 to vector<256x512xi32>
    %and3A_47 = arith.andi %bitcast_convert_type3A_41, %and3A_46 : vector<256x512xi32>
    %bitcast_convert_type3A_48 = tpu.bitcast %shift_left3A_44 : vector<256x512xi32> -> vector<256x512xf32>
    %bitcast_convert_type3A_49 = tpu.bitcast %and3A_47 : vector<256x512xi32> -> vector<256x512xf32>
    %concatenate3A_50 = tpu.concatenate %bitcast_convert_type3A_48, %bitcast_convert_type3A_49 in 1 : vector<256x512xf32>, vector<256x512xf32> -> vector<256x1024xf32>
    %get3A_51 = arith.constant 0 : index
    %get3A_52 = arith.constant 0 : index
    %get3A_53 = vector.load %arg5[%get3A_51, %get3A_52] : memref<1x1024xf32, #tpu.memory_space<vmem>>, vector<1x1024xf32>
    %add3A_54 = vector.broadcast %get3A_53 : vector<1x1024xf32> to vector<256x1024xf32>
    %add3A_55 = arith.addf %dot_general3A_28, %add3A_54 : vector<256x1024xf32>
    %get3A_56 = arith.constant 0 : index
    %get3A_57 = arith.constant 0 : index
    %get3A_58 = vector.load %arg8[%get3A_56, %get3A_57] : memref<256x1xf32, #tpu.memory_space<vmem>>, vector<256x1xf32>
    %mul3A_59 = vector.broadcast %get3A_58 : vector<256x1xf32> to vector<256x1024xf32>
    %mul3A_60 = arith.mulf %mul3A_59, %concatenate3A : vector<256x1024xf32>
    %add3A_61 = arith.addf %add3A_55, %mul3A_60 : vector<256x1024xf32>
    %get3A_62 = arith.constant 0 : index
    %get3A_63 = arith.constant 0 : index
    %get3A_64 = vector.load %arg9[%get3A_62, %get3A_63] : memref<256x1xf32, #tpu.memory_space<vmem>>, vector<256x1xf32>
    %mul3A_65 = vector.broadcast %get3A_64 : vector<256x1xf32> to vector<256x1024xf32>
    %mul3A_66 = arith.mulf %mul3A_65, %concatenate3A_50 : vector<256x1024xf32>
    %add3A_67 = arith.addf %add3A_61, %mul3A_66 : vector<256x1024xf32>
    %swap3A = arith.constant 0 : index
    %swap3A_68 = arith.constant 0 : index
    %swap3A_69 = vector.load %arg10[%swap3A, %swap3A_68] : memref<256x1024xf32, #tpu.memory_space<vmem>>, vector<256x1024xf32>
    tpu.vector_store %arg10[%swap3A, %swap3A_68], %add3A_67 {strides = array<i32>} : memref<256x1024xf32, #tpu.memory_space<vmem>>, vector<256x1024xf32>,
    return
  }
  func.func @transform_0(%arg0: i32) -> (i32, i32) {
    %c0_i32 = arith.constant 0 : i32
    %c0_i32_0 = arith.constant 0 : i32
    return %arg0, %c0_i32 : i32, i32
  }
  func.func @transform_1(%arg0: i32) -> (i32, i32) {
    %c0_i32 = arith.constant 0 : i32
    %c0_i32_0 = arith.constant 0 : i32
    %c0_i32_1 = arith.constant 0 : i32
    return %c0_i32, %c0_i32_0 : i32, i32
  }
  func.func @transform_2(%arg0: i32) -> (i32, i32) {
    %c0_i32 = arith.constant 0 : i32
    %c0_i32_0 = arith.constant 0 : i32
    %c0_i32_1 = arith.constant 0 : i32
    return %c0_i32, %c0_i32_0 : i32, i32
  }
  func.func @transform_3(%arg0: i32) -> (i32, i32) {
    %c0_i32 = arith.constant 0 : i32
    %c0_i32_0 = arith.constant 0 : i32
    %c0_i32_1 = arith.constant 0 : i32
    return %c0_i32, %c0_i32_0 : i32, i32
  }
  func.func @transform_4(%arg0: i32) -> (i32, i32) {
    %c0_i32 = arith.constant 0 : i32
    %c0_i32_0 = arith.constant 0 : i32
    %c0_i32_1 = arith.constant 0 : i32
    return %c0_i32, %c0_i32_0 : i32, i32
  }
  func.func @transform_5(%arg0: i32) -> (i32, i32) {
    %c0_i32 = arith.constant 0 : i32
    %c0_i32_0 = arith.constant 0 : i32
    return %arg0, %c0_i32 : i32, i32
  }
  func.func @transform_6(%arg0: i32) -> (i32, i32) {
    %c0_i32 = arith.constant 0 : i32
    %c0_i32_0 = arith.constant 0 : i32
    return %arg0, %c0_i32 : i32, i32
  }
  func.func @transform_7(%arg0: i32) -> (i32, i32) {
    %c0_i32 = arith.constant 0 : i32
    %c0_i32_0 = arith.constant 0 : i32
    return %arg0, %c0_i32 : i32, i32
  }
  func.func @transform_8(%arg0: i32) -> (i32, i32) {
    %c0_i32 = arith.constant 0 : i32
    %c0_i32_0 = arith.constant 0 : i32
    return %arg0, %c0_i32 : i32, i32
  }
  func.func @transform_9(%arg0: i32) -> (i32, i32) {
    %c0_i32 = arith.constant 0 : i32
    %c0_i32_0 = arith.constant 0 : i32
    return %arg0, %c0_i32 : i32, i32
  }
}

</mosaic_0001>

<sc_bundles>
// kernel: kernel.10.cloned.1.call-start
scs
__scs_entry_jumppad:
0x0: {  	(pc) =	sbr.rel $0x88, $3  }
0x1: {  	(tag) =	ssettag $0x0;
	lr =	simm.s32 $0x1  }
0x2: {  	[smem:$0x3F97] =	sst lr;
	_ =	strace $0xD0000000  }
0x3: {  	_ = 	snop  }
0x4: {  	_ = 	snop  }
0x5: {  	_ = 	snop  }
0x6: {  	_ = 	snop  }
0x7: {  	_ = 	snop  }
__scs_overlays_trampoline_lowered:
0x8: {  	[smem:$0x3FA6] =	sst s0  }
0x9: {  	[smem:$0x3FA7] =	sst s1  }
0xa: {  	[smem:$0x3FA8] =	sst s2  }
0xb: {  	[smem:$0x3FA9] =	sst s3  }
0xc: {  	[smem:$0x3FAA] =	sst s4  }
0xd: {  	[smem:$0x3FAB] =	sst s5  }
0xe: {  	[smem:$0x3FAC] =	sst s6  }
0xf: {  	[smem:$0x3FAD] =	sst s7  }
0x10: {  	[smem:$0x3FAE] =	sst s8  }
0x11: {  	[smem:$0x3FAF] =	sst s9;
	s0 =	simm.s32 @!p0 $0x0  }
0x12: {  	s1 =	sld [smem:$0x3F95];
	s0 =	simm.s32 @p0 $0x1  }
0x13: {  	[smem:$0x3FB0] =	sst s0;
	s0 =	simm.s32 @!p1 $0x0  }
0x14: {  	s2 =	sld [smem:$0x3F94];
	s0 =	simm.s32 @p1 $0x1  }
0x15: {  	[smem:$0x3FB1] =	sst s0;
	s0 =	simm.s32 @!p2 $0x0  }
0x16: {  	s3 =	sld [smem:$0x3FDB];
	s0 =	simm.s32 @p2 $0x1  }
0x17: {  	s4 =	simm.s32 $0x1BF5;
	[smem:$0x3FB3] =	sst s0  }
0x18: {  	s0 =	sld [smem:$0x3F96];
	_ =	swait.ge [sflag:s4], $0x0  }
0x19: {  	s7 =	sld [smem:$0x3F97]  }
0x1a: {  	s8 =	sadd.s32 $0xFFFFE003, lr  }
0x1b: {  	s9 =	sadd.s32 $0xFFFFFEF7, lr;
	s5 =	simm.s32 $0xFFFFFFFF;
	p2 =	slt.u32 s8, $0xFFFFF086  }
0x1c: {  	p1 =	slt.u32 s9, $0xF7A;
	s5 =	simm.s32 @!p2 $0x0  }
0x1d: {  	s5 =	simm.s32 @p1 $0x1;
	p0 =	seq.s32 s7, s2  }
0x1e: {  	s7 =	smul.u32 @!p0 $0xF7A, s2;
	p2 =	seq.s32 @!p0 s5, $0x0  }
0x1f: {  	s9 =	smul.u32 $0xF7A, s1;
	s8 =	simm.s32 @!p0 $0x1BF5;
	p2 =	por !p2, p0  }
0x20: {  	[sflag:s8] =	ssyncset.s32 @!p0 $0xFFFFF086;
	s6 =	sadd.s32 @!p0 s3, s7;
	s7 =	simm.s32 @!p0 $0x108  }
0x21: {  	s3 =	sadd.s32 s3, s9;
	s6 =	sadd.s32 @!p0 $0x88, s6;
	s7 =	simm.s32 @p2 $0x1082  }
0x22: {  	[simem:s7], [sflag:s8] =	dma.local @!p0 [hbm:s6], $0xF7A  }
0x23: {  	s9 =	sor.u32 $0xD0000000, s2;
	s6 =	simm.s32 $0x108;
	_ =	swait.ge @!p0 [sflag:s8], $0x0  }
0x24: {  	s3 =	sadd.s32 $0x88, s3;
	s6 =	simm.s32 @!p1 $0x1082;
	[sflag:s4] =	ssyncset.s32 $0xFFFFF086  }
0x25: {  	[simem:s6], [sflag:s4] =	dma.local [hbm:s3], $0xF7A  }
0x26: {  	[smem:$0x3F97] =	sst s1;
	(tag) =	ssettag s2;
	_ =	strace s9  }
0x27: {  	s1 =	sld [smem:$0x3FA7]  }
0x28: {  	s2 =	sld [smem:$0x3FA8]  }
0x29: {  	s4 =	sld [smem:$0x3FAA]  }
0x2a: {  	p0 =	seq.s32 s5, $0x0;
	s5 =	sld [smem:$0x3FAB]  }
0x2b: {  	s6 =	sld [smem:$0x3FAC]  }
0x2c: {  	s7 =	sld [smem:$0x3FAD]  }
0x2d: {  	s3 =	simm.s32 $0x108;
	s8 =	sld [smem:$0x3FAE]  }
0x2e: {  	s3 =	simm.s32 @!p0 $0x1082;
	s9 =	sld [smem:$0x3FAF]  }
0x2f: {  	lr =	sadd.s32 s0, s3;
	s0 =	sld [smem:$0x3FA6]  }
0x30: {  	s3 =	sld [smem:$0x3FA9]  }
0x31: {  	[smem:$0x3FB2] =	sst s10  }
0x32: {  	s10 =	sld [smem:$0x3FB0];
	_ =	sdelay $0x3  }
0x33: {  	p0 =	seq.s32 s10, $0x1;
	s10 =	sld [smem:$0x3FB2];
	_ =	sdelay $0x3  }
0x34: {  	[smem:$0x3FB2] =	sst s10  }
0x35: {  	s10 =	sld [smem:$0x3FB1];
	_ =	sdelay $0x3  }
0x36: {  	p1 =	seq.s32 s10, $0x1;
	s10 =	sld [smem:$0x3FB2];
	_ =	sdelay $0x3  }
0x37: {  	[smem:$0x3FB2] =	sst s10  }
0x38: {  	s10 =	sld [smem:$0x3FB3]  }
0x39: {  	_ = 	snop;
	(pc) =	sbr.ind lr, $3  }
0x3a: {  	_ = 	snop  }
0x3b: {  	_ = 	snop  }
0x3c: {  	p2 =	seq.s32 s10, $0x1;
	s10 =	sld [smem:$0x3FB2]  }
0x3d: {  	_ =	shalt  }
0x3e: {  	_ =	shalt  }
0x3f: {  	_ =	shalt  }
0x40: {  	_ =	shalt  }
0x41: {  	_ =	shalt  }
0x42: {  	_ =	shalt  }
0x43: {  	_ =	shalt  }
0x44: {  	_ =	shalt  }
0x45: {  	_ =	shalt  }
0x46: {  	_ =	shalt  }
0x47: {  	_ =	shalt  }
0x48: {  	_ =	shalt  }
0x49: {  	_ =	shalt  }
0x4a: {  	_ =	shalt  }
0x4b: {  	_ =	shalt  }
0x4c: {  	_ =	shalt  }
0x4d: {  	_ =	shalt  }
0x4e: {  	_ =	shalt  }
0x4f: {  	_ =	shalt  }
0x50: {  	_ =	shalt  }
0x51: {  	_ =	shalt  }
0x52: {  	_ =	shalt  }
0x53: {  	_ =	shalt  }
0x54: {  	_ =	shalt  }
0x55: {  	_ =	shalt  }
0x56: {  	_ =	shalt  }
0x57: {  	_ =	shalt  }
0x58: {  	_ =	shalt  }
0x59: {  	_ =	shalt  }
0x5a: {  	_ =	shalt  }
0x5b: {  	_ =	shalt  }
0x5c: {  	_ =	shalt  }
0x5d: {  	_ =	shalt  }
0x5e: {  	_ =	shalt  }
0x5f: {  	_ =	shalt  }
0x60: {  	_ =	shalt  }
0x61: {  	_ =	shalt  }
0x62: {  	_ =	shalt  }
0x63: {  	_ =	shalt  }
0x64: {  	_ =	shalt  }
0x65: {  	_ =	shalt  }
0x66: {  	_ =	shalt  }
0x67: {  	_ =	shalt  }
0x68: {  	_ =	shalt  }
0x69: {  	_ =	shalt  }
0x6a: {  	_ =	shalt  }
0x6b: {  	_ =	shalt  }
0x6c: {  	_ =	shalt  }
0x6d: {  	_ =	shalt  }
0x6e: {  	_ =	shalt  }
0x6f: {  	_ =	shalt  }
0x70: {  	_ =	shalt  }
0x71: {  	_ =	shalt  }
0x72: {  	_ =	shalt  }
0x73: {  	_ =	shalt  }
0x74: {  	_ =	shalt  }
0x75: {  	_ =	shalt  }
0x76: {  	_ =	shalt  }
0x77: {  	_ =	shalt  }
0x78: {  	_ =	shalt  }
0x79: {  	_ =	shalt  }
0x7a: {  	_ =	shalt  }
0x7b: {  	_ =	shalt  }
0x7c: {  	_ =	shalt  }
0x7d: {  	_ =	shalt  }
0x7e: {  	_ =	shalt  }
0x7f: {  	_ =	shalt  }
0x80: {  	_ =	shalt  }
0x81: {  	_ =	shalt  }
0x82: {  	_ =	shalt  }
0x83: {  	_ =	shalt  }
0x84: {  	_ =	shalt  }
0x85: {  	_ =	shalt  }
0x86: {  	_ =	shalt  }
0x87: {  	_ =	shalt  }
.Lfunc_end0:
.L_simem_size_0:
called_computation.1_lowered:
.L_overlay_start_0:
0x88: {  	s2 =	sld [smem:$0x3FD9]  }
0x89: {  	s3 =	sld [smem:$0x3FFE];
	_ =	sdelay $0x1  }
0x8a: {  	s1 =	srdreg.scid  }
0x8b: {  	s0 =	sand.u32 $0x1, s1  }
0x8c: {  	s17 =	sshll.u32 s0, $0xA;
	s2 =	sadd.s32 s3, s2  }
0x8d: {  	s2 =	sadd.s32 s2, s17  }
0x8e: {  	[smem:$0x3FBE] =	sst s2  }
0x8f: {  	_ = 	snop  }
0x90: {  	s2 =	sld [smem:$0x3FD0];
	(tm) =	ssettm $0x1  }
0x91: {  	s18 =	sld [smem:$0x3FFB];
	_ =	sdelay $0x3  }
0x92: {  	_ =	strace s18  }
0x93: {  	s3 =	sld [smem:$0x3FFC];
	_ =	sdelay $0x3  }
0x94: {  	_ =	strace s3  }
0x95: {  	s3 =	sld [smem:$0x3FFD];
	_ =	sdelay $0x3  }
0x96: {  	_ =	strace s3  }
0x97: {  	_ =	strace $0x8FFFFFFF  }
0x98: {  	s19 =	sld [smem:$0x3FDB];
	_ =	sdelay $0x1  }
0x99: {  	s4 =	simm.s32 $_scs_section_size  }
0x9a: {  	s5 =	simm.s32 $_size__tile_overlayer_lowered;
	s6 =	simm.s32 $_tile_overlayer_lowered  }
0x9b: {  	s22 =	simm.s32 $0x1BFF;
	s21 =	sshll.u32 s6, $0x1;
	s3 =	sadd.s32 s4, s19  }
0x9c: {  	s7 =	simm.s32 $0x0;
	s20 =	sshll.u32 s5, $0x1;
	s5 =	sadd.s32 s21, s3  }
0x9d: {  	[timem:s7], [sflag:s22] =	dma.local [hbm:s5], s20  }
0x9e: {  	_ =	swait.ge [sflag:s22], s20  }
0x9f: {  	s4 =	ssub.s32 $0x0, s20;
	[sflag:s22] =	ssyncset.done $0x0  }
0xa0: {  	[sflag:s22] =	ssyncadd.s32 s4;
	_ =	sdelay $0x1  }
0xa1: {  	s23 =	simm.s32 $0x1B8B  }
0xa2: {  	_ =	swait.ge [sflag:s23], $0x1  }
0xa3: {  	[sflag:s23] =	ssyncset.done $0x0  }
0xa4: {  	s25 =	simm.s32 $0x1B8E;
	s24 =	sld [smem:$0x3FFE];
	[sflag:s23] =	ssyncadd.s32 $0xFFFFFFFF  }
0xa5: {  	s26 =	simm.s32 $execute0_lowered;
	[smem:$0x3FD2] =	sst s25  }
0xa6: {  	s5 =	sshll.u32 s26, $0x1;
	_ =	strace $0x80000049;
	[dreg:$0x1] =	wrdreg $0xFFFFFFFF  }
0xa7: {  	s28 =	simm.s32 $_size_execute0_lowered;
	s3 =	sadd.s32 s3, s5;
	[dreg:$0x0] =	wrdreg $0x0  }
0xa8: {  	s5 =	sshll.u32 s28, $0x1;
	[dreg:$0x2] =	wrdreg s3  }
0xa9: {  	[dreg:$0x3] =	wrdreg s5  }
0xaa: {  	[dreg:$0x4] =	wrdreg $0xC0  }
0xab: {  	_ =	task [dreg:s7], $0x5FFFF  }
0xac: {  	[dreg:$0x1] =	wrdreg $0xFFFFFFFF  }
0xad: {  	[dreg:$0x0] =	wrdreg $0x60  }
0xae: {  	[dreg:$0x2] =	wrdreg s24  }
0xaf: {  	[dreg:$0x3] =	wrdreg s2  }
0xb0: {  	[dreg:$0x4] =	wrdreg $0x9  }
0xb1: {  	_ =	task.clear_ibuf [dreg:s7], $0x5FFFF;
	_ =	strace $0x90000049  }
0xb2: {  	s29 =	simm.s32 $0x9;
	_ =	strace $0x8000004B  }
0xb3: {  	_ =	swait.ge [sflag:s29], $0x1  }
0xb4: {  	[sflag:s29] =	ssyncadd.s32 $0xFFFFFFFF  }
0xb5: {  	_ =	strace $0x9000004B  }
0xb6: {  	_ =	sfence  }
0xb7: {  	s30 =	sld [smem:$0x0];
	_ =	sdelay $0x2  }
0xb8: {  	s31 =	sshll.u32 s1, $0xD;
	s1 =	sshrl.u32 s1, $0x2  }
0xb9: {  	s3 =	sand.u32 $0x4000, s31;
	s1 =	sadd.s32 s1, s30  }
0xba: {  	s0 =	sor.u32 s3, s0;
	s1 =	sshll.u32 s1, $0x11  }
0xbb: {  	s0 =	sor.u32 s1, s0  }
0xbc: {  	s0 =	sadd.s32 $0x8F2B, s0  }
0xbd: {  	[sflag:s0] =	ssyncadd.remote.s32 $0x1  }
0xbe: {  	_ =	sfence.sel $0xFFFF  }
0xbf: {  	[dreg:$0x0] =	wrdreg $0xFFFFFFFF;
	(pc) =	sbr.abs _section_cstart, $3  }
0xc0: {  	[dreg:$0x1] =	wrdreg $0xFFFFFFFF  }
0xc1: {  	_ =	task.clear_ibuf [dreg:s7], $0x2FFFF;
	_ =	strace $0x9FFFFFFF  }
0xc2: {  	(tm) =	ssettm $0x7FFFFFFF  }
0xc3: {  	_ =	shalt  }
tec
execute0_lowered:
.L_overlay_start_1:
0x0: {  	(tag) =	ssettag $0x1  }
0x1: {  	s1 =	srdreg.scid  }
0x2: {  	s0 =	stileid.u32;
	s4 =	rddreg [dreg:$0x0]  }
0x3: {  	s5 =	rddreg [dreg:$0x1];
	s17 =	simm.s32 $0x10000;
	s18 =	simm.s32 $0x10080  }
0x4: {  	s19 =	simm.s32 $0x800;
	s20 =	simm.s32 $0x1000;
	s21 =	simm.s32 $0x1800  }
0x5: {  	s23 =	simm.s32 $0x2000;
	s24 =	simm.s32 $0x2800;
	s25 =	simm.s32 $0x3000  }
0x6: {  	s26 =	simm.s32 $0x3800;
	s8 =	simm.s32 $0x4800;
	s1 =	sand.u32 $0x1, s1  }
0x7: {  	s9 =	simm.s32 $0x5000;
	s2 =	sshll.u32 s0, $0x7;
	s3 =	sshll.u32 s1, $0x6  }
0x8: {  	s10 =	simm.s32 $0x5800;
	s3 =	sor.u32 s3, s2;
	s2 =	simm.s32 $0x0  }
0x9: {  	s11 =	simm.s32 $0x6000;
	s12 =	simm.s32 $0x6800;
	[smem:$0x7FF] =	sst s2  }
0xa: {  	s13 =	simm.s32 $0x7000;
	_ =	strace $0x8000004A;
	[dreg:$0x7] =	wrdreg s17  }
0xb: {  	s14 =	simm.s32 $0x7800;
	s28 =	simm.s32 $0xE000;
	[dreg:$0x8] =	wrdreg s18  }
0xc: {  	s29 =	simm.s32 $0xE800;
	s30 =	simm.s32 $0xF000;
	[dreg:$0x9] =	wrdreg s19  }
0xd: {  	s31 =	simm.s32 $0xF800;
	s1 =	ssub.s32 $0x2, s1;
	[dreg:$0xa] =	wrdreg s20  }
0xe: {  	s22 =	sshrl.u32 s1, $0x1;
	s6 =	sshrl.u32 s3, $0x3;
	[dreg:$0xb] =	wrdreg s21  }
0xf: {  	s3 =	sshll.u32 s3, $0x6;
	s1 =	ssub.s32 s1, s22;
	[dreg:$0xc] =	wrdreg s23  }
0x10: {  	s22 =	simm.s32 $0xB800;
	s6 =	sadd.s32 s6, s4;
	[dreg:$0xd] =	wrdreg s24  }
0x11: {  	s15 =	sadd.s32 s3, s4;
	s3 =	sadd.s32 s5, s3;
	[dreg:$0xe] =	wrdreg s25  }
0x12: {  	s5 =	smax.u32 s1, $0x1;
	[dreg:$0xf] =	wrdreg s26;
	s17 =	simm.s32 $0x9000  }
0x13: {  	s18 =	simm.s32 $0x9800;
	s19 =	simm.s32 $0xA000;
	s20 =	simm.s32 $0xA800  }
0x14: {  	s21 =	simm.s32 $0xB000;
	s23 =	simm.s32 $0xC000;
	s24 =	simm.s32 $0xC800  }
0x15: {  	s25 =	simm.s32 $0xD000;
	s26 =	simm.s32 $0xD800;
	s1 =	simm.s32 $0x1  }
0x16: {  	s7 =	sadd.s32 $0x1C00, s6;
	s6 =	sadd.s32 $0x1E00, s6;
	[dreg:$0x5] =	wrdreg s3  }
0x17: {  	v2 =	vlaneseq.u32;
	s16 =	sadd.s32 $0x52000, s15;
	s3 =	sadd.s32 $0x2000, s4;
	[dreg:$0x3] =	wrdreg s7  }
0x18: {  	vm0 =	vmmov $0xffff;
	v1 =	vshrl.u32 v2, $0x3;
	s4 =	sadd.s32 $0x2100, s4;
	s15 =	simm.s32 $0x8000;
	[dreg:$0x4] =	wrdreg s6  }
0x19: {  	v0 =	vand.u32 $0x7, v2;
	v2 =	vor.u32 $0x8, v2;
	v1 =	vmul.u32 $0x8, v1;
	[dreg:$0x6] =	wrdreg s16;
	s6 =	simm.s32 $0x2;
	s16 =	simm.s32 $0x8800  }
.LBB2_1:
0x1a: {  	s0 =	rddreg [dreg:$0x3]  }
0x1b: {  	s7 =	rddreg [dreg:$0x7]  }
0x1c: {  	[tilespmem:s7], [sflag:$0x2] =	stream.linear.gather [hbm4b:s0+s2], $0x40, $0x38;
	[tilespmem:$0x10100] =	vst v63  }
0x1d: {  	_ =	swait.ge [sflag:s6], $0x40  }
0x1e: {  	s0 =	rddreg [dreg:$0x4];
	[sflag:s6] =	ssyncset.done $0x0  }
0x1f: {  	s7 =	rddreg [dreg:$0x8];
	[sflag:s6] =	ssyncadd.s32 $0xFFFFFFC0  }
0x20: {  	[tilespmem:s7], [sflag:$0x2] =	stream.linear.gather [hbm4b:s0+s2], $0x40, $0x38;
	[tilespmem:$0x10100] =	vst v63  }
0x21: {  	_ =	swait.ge [sflag:s6], $0x40  }
0x22: {  	[sflag:s6] =	ssyncset.done $0x0  }
0x23: {  	[sflag:s6] =	ssyncadd.s32 $0xFFFFFFC0  }
0x24: {  	v3 =	vld [tilespmem:$0x10000];
	_ =	sdelay $0x4  }
0x25: {  	v4 =	vshll.u32 v3, $0x2  }
0x26: {  	v3 =	vand.u32 $0x7, v3;
	v4 =	vand.u32 $0xFFFFFFE0, v4  }
0x27: {  	v3 =	vor.u32 v3, v4  }
0x28: {  	v4 =	vperm.xlane v3, v0;
	_ =	sdelay $0x1  }
0x29: {  	v4 =	vadd.s32 v1, v4;
	_ =	sdelay $0x1  }
0x2a: {  	v3 =	vperm.xlane v3, v2;
	_ =	sdelay $0x1  }
0x2b: {  	v3 =	vadd.s32 v1, v3  }
0x2c: {  	[tilespmem:s2], [sflag:$0x1] =	stream.indirect_vreg.gather [hbm4b:s3+s2], $0x80, v4, vm0, $0xb8;
	[tilespmem:$0x10100] =	vst v63  }
0x2d: {  	s0 =	rddreg [dreg:$0x9]  }
0x2e: {  	[tilespmem:s0], [sflag:$0x1] =	stream.indirect_vreg.gather [hbm4b:s4+s2], $0x80, v4, vm0, $0xb8;
	[tilespmem:$0x10100] =	vst v63  }
0x2f: {  	s7 =	rddreg [dreg:$0xa]  }
0x30: {  	[tilespmem:s7], [sflag:$0x1] =	stream.indirect_vreg.gather [hbm4b:s3+s2], $0x80, v3, vm0, $0xb8;
	[tilespmem:$0x10100] =	vst v63  }
0x31: {  	s0 =	rddreg [dreg:$0xb]  }
0x32: {  	[tilespmem:s0], [sflag:$0x1] =	stream.indirect_vreg.gather [hbm4b:s4+s2], $0x80, v3, vm0, $0xb8;
	[tilespmem:$0x10100] =	vst v63  }
0x33: {  	v3 =	vld [tilespmem:$0x10010];
	_ =	sdelay $0x4  }
0x34: {  	v57 =	vshll.u32 v3, $0x2  }
0x35: {  	v3 =	vand.u32 $0x7, v3;
	v4 =	vand.u32 $0xFFFFFFE0, v57  }
0x36: {  	v3 =	vor.u32 v3, v4  }
0x37: {  	v4 =	vperm.xlane v3, v0;
	_ =	sdelay $0x1  }
0x38: {  	v4 =	vadd.s32 v1, v4;
	_ =	sdelay $0x1  }
0x39: {  	v3 =	vperm.xlane v3, v2;
	_ =	sdelay $0x1  }
0x3a: {  	s0 =	rddreg [dreg:$0xc];
	v3 =	vadd.s32 v1, v3  }
0x3b: {  	[tilespmem:s0], [sflag:$0x1] =	stream.indirect_vreg.gather [hbm4b:s3+s2], $0x80, v4, vm0, $0xb8;
	[tilespmem:$0x10100] =	vst v63  }
0x3c: {  	s7 =	rddreg [dreg:$0xd]  }
0x3d: {  	[tilespmem:s7], [sflag:$0x1] =	stream.indirect_vreg.gather [hbm4b:s4+s2], $0x80, v4, vm0, $0xb8;
	[tilespmem:$0x10100] =	vst v63  }
0x3e: {  	s0 =	rddreg [dreg:$0xe]  }
0x3f: {  	[tilespmem:s0], [sflag:$0x1] =	stream.indirect_vreg.gather [hbm4b:s3+s2], $0x80, v3, vm0, $0xb8;
	[tilespmem:$0x10100] =	vst v63  }
0x40: {  	s7 =	rddreg [dreg:$0xf]  }
0x41: {  	[tilespmem:s7], [sflag:$0x1] =	stream.indirect_vreg.gather [hbm4b:s4+s2], $0x80, v3, vm0, $0xb8;
	[tilespmem:$0x10100] =	vst v63  }
0x42: {  	v3 =	vld [tilespmem:$0x10020];
	_ =	sdelay $0x4  }
0x43: {  	v58 =	vshll.u32 v3, $0x2  }
0x44: {  	v3 =	vand.u32 $0x7, v3;
	v4 =	vand.u32 $0xFFFFFFE0, v58  }
0x45: {  	v3 =	vor.u32 v3, v4  }
0x46: {  	v4 =	vperm.xlane v3, v0;
	_ =	sdelay $0x1  }
0x47: {  	v4 =	vadd.s32 v1, v4;
	_ =	sdelay $0x1  }
0x48: {  	v3 =	vperm.xlane v3, v2;
	_ =	sdelay $0x1  }
0x49: {  	s7 =	simm.s32 $0x4000;
	v3 =	vadd.s32 v1, v3  }
0x4a: {  	[tilespmem:s7], [sflag:$0x1] =	stream.indirect_vreg.gather [hbm4b:s3+s2], $0x80, v4, vm0, $0xb8;
	[tilespmem:$0x10100] =	vst v63  }
0x4b: {  	_ = 	snop  }
0x4c: {  	[tilespmem:s8], [sflag:$0x1] =	stream.indirect_vreg.gather [hbm4b:s4+s2], $0x80, v4, vm0, $0xb8;
	[tilespmem:$0x10100] =	vst v63  }
0x4d: {  	_ = 	snop  }
0x4e: {  	[tilespmem:s9], [sflag:$0x1] =	stream.indirect_vreg.gather [hbm4b:s3+s2], $0x80, v3, vm0, $0xb8;
	[tilespmem:$0x10100] =	vst v63  }
0x4f: {  	_ = 	snop  }
0x50: {  	[tilespmem:s10], [sflag:$0x1] =	stream.indirect_vreg.gather [hbm4b:s4+s2], $0x80, v3, vm0, $0xb8;
	[tilespmem:$0x10100] =	vst v63  }
0x51: {  	v3 =	vld [tilespmem:$0x10030];
	_ =	sdelay $0x4  }
0x52: {  	v59 =	vshll.u32 v3, $0x2  }
0x53: {  	v3 =	vand.u32 $0x7, v3;
	v4 =	vand.u32 $0xFFFFFFE0, v59  }
0x54: {  	v3 =	vor.u32 v3, v4  }
0x55: {  	v4 =	vperm.xlane v3, v0;
	_ =	sdelay $0x1  }
0x56: {  	v4 =	vadd.s32 v1, v4;
	_ =	sdelay $0x1  }
0x57: {  	v3 =	vperm.xlane v3, v2;
	_ =	sdelay $0x1  }
0x58: {  	v3 =	vadd.s32 v1, v3  }
0x59: {  	[tilespmem:s11], [sflag:$0x1] =	stream.indirect_vreg.gather [hbm4b:s3+s2], $0x80, v4, vm0, $0xb8;
	[tilespmem:$0x10100] =	vst v63  }
0x5a: {  	_ = 	snop  }
0x5b: {  	[tilespmem:s12], [sflag:$0x1] =	stream.indirect_vreg.gather [hbm4b:s4+s2], $0x80, v4, vm0, $0xb8;
	[tilespmem:$0x10100] =	vst v63  }
0x5c: {  	_ = 	snop  }
0x5d: {  	[tilespmem:s13], [sflag:$0x1] =	stream.indirect_vreg.gather [hbm4b:s3+s2], $0x80, v3, vm0, $0xb8;
	[tilespmem:$0x10100] =	vst v63  }
0x5e: {  	_ = 	snop  }
0x5f: {  	[tilespmem:s14], [sflag:$0x1] =	stream.indirect_vreg.gather [hbm4b:s4+s2], $0x80, v3, vm0, $0xb8;
	[tilespmem:$0x10100] =	vst v63  }
0x60: {  	v3 =	vld [tilespmem:$0x10080];
	_ =	sdelay $0x4  }
0x61: {  	v60 =	vshll.u32 v3, $0x2  }
0x62: {  	v3 =	vand.u32 $0x7, v3;
	v4 =	vand.u32 $0xFFFFFFE0, v60  }
0x63: {  	v3 =	vor.u32 v3, v4  }
0x64: {  	v4 =	vperm.xlane v3, v0;
	_ =	sdelay $0x1  }
0x65: {  	v4 =	vadd.s32 v1, v4;
	_ =	sdelay $0x1  }
0x66: {  	v3 =	vperm.xlane v3, v2;
	_ =	sdelay $0x1  }
0x67: {  	v3 =	vadd.s32 v1, v3  }
0x68: {  	[tilespmem:s15], [sflag:$0x1] =	stream.indirect_vreg.gather [hbm4b:s3+s2], $0x80, v4, vm0, $0xb8;
	[tilespmem:$0x10100] =	vst v63  }
0x69: {  	_ = 	snop  }
0x6a: {  	[tilespmem:s16], [sflag:$0x1] =	stream.indirect_vreg.gather [hbm4b:s4+s2], $0x80, v4, vm0, $0xb8;
	[tilespmem:$0x10100] =	vst v63  }
0x6b: {  	_ = 	snop  }
0x6c: {  	[tilespmem:s17], [sflag:$0x1] =	stream.indirect_vreg.gather [hbm4b:s3+s2], $0x80, v3, vm0, $0xb8;
	[tilespmem:$0x10100] =	vst v63  }
0x6d: {  	_ = 	snop  }
0x6e: {  	[tilespmem:s18], [sflag:$0x1] =	stream.indirect_vreg.gather [hbm4b:s4+s2], $0x80, v3, vm0, $0xb8;
	[tilespmem:$0x10100] =	vst v63  }
0x6f: {  	v3 =	vld [tilespmem:$0x10090];
	_ =	sdelay $0x4  }
0x70: {  	v61 =	vshll.u32 v3, $0x2  }
0x71: {  	v3 =	vand.u32 $0x7, v3;
	v4 =	vand.u32 $0xFFFFFFE0, v61  }
0x72: {  	v3 =	vor.u32 v3, v4  }
0x73: {  	v4 =	vperm.xlane v3, v0;
	_ =	sdelay $0x1  }
0x74: {  	v4 =	vadd.s32 v1, v4;
	_ =	sdelay $0x1  }
0x75: {  	v3 =	vperm.xlane v3, v2;
	_ =	sdelay $0x1  }
0x76: {  	v3 =	vadd.s32 v1, v3  }
0x77: {  	[tilespmem:s19], [sflag:$0x1] =	stream.indirect_vreg.gather [hbm4b:s3+s2], $0x80, v4, vm0, $0xb8;
	[tilespmem:$0x10100] =	vst v63  }
0x78: {  	_ = 	snop  }
0x79: {  	[tilespmem:s20], [sflag:$0x1] =	stream.indirect_vreg.gather [hbm4b:s4+s2], $0x80, v4, vm0, $0xb8;
	[tilespmem:$0x10100] =	vst v63  }
0x7a: {  	_ = 	snop  }
0x7b: {  	[tilespmem:s21], [sflag:$0x1] =	stream.indirect_vreg.gather [hbm4b:s3+s2], $0x80, v3, vm0, $0xb8;
	[tilespmem:$0x10100] =	vst v63  }
0x7c: {  	_ = 	snop  }
0x7d: {  	[tilespmem:s22], [sflag:$0x1] =	stream.indirect_vreg.gather [hbm4b:s4+s2], $0x80, v3, vm0, $0xb8;
	[tilespmem:$0x10100] =	vst v63  }
0x7e: {  	v3 =	vld [tilespmem:$0x100A0];
	_ =	sdelay $0x4  }
0x7f: {  	v62 =	vshll.u32 v3, $0x2  }
0x80: {  	v3 =	vand.u32 $0x7, v3;
	v4 =	vand.u32 $0xFFFFFFE0, v62  }
0x81: {  	v3 =	vor.u32 v3, v4  }
0x82: {  	v4 =	vperm.xlane v3, v0;
	_ =	sdelay $0x1  }
0x83: {  	v4 =	vadd.s32 v1, v4;
	_ =	sdelay $0x1  }
0x84: {  	v3 =	vperm.xlane v3, v2;
	_ =	sdelay $0x1  }
0x85: {  	v3 =	vadd.s32 v1, v3  }
0x86: {  	[tilespmem:s23], [sflag:$0x1] =	stream.indirect_vreg.gather [hbm4b:s3+s2], $0x80, v4, vm0, $0xb8;
	[tilespmem:$0x10100] =	vst v63  }
0x87: {  	_ = 	snop  }
0x88: {  	[tilespmem:s24], [sflag:$0x1] =	stream.indirect_vreg.gather [hbm4b:s4+s2], $0x80, v4, vm0, $0xb8;
	[tilespmem:$0x10100] =	vst v63  }
0x89: {  	_ = 	snop  }
0x8a: {  	[tilespmem:s25], [sflag:$0x1] =	stream.indirect_vreg.gather [hbm4b:s3+s2], $0x80, v3, vm0, $0xb8;
	[tilespmem:$0x10100] =	vst v63  }
0x8b: {  	_ = 	snop  }
0x8c: {  	[tilespmem:s26], [sflag:$0x1] =	stream.indirect_vreg.gather [hbm4b:s4+s2], $0x80, v3, vm0, $0xb8;
	[tilespmem:$0x10100] =	vst v63  }
0x8d: {  	v3 =	vld [tilespmem:$0x100B0];
	_ =	sdelay $0x4  }
0x8e: {  	v63 =	vshll.u32 v3, $0x2  }
0x8f: {  	v3 =	vand.u32 $0x7, v3;
	v4 =	vand.u32 $0xFFFFFFE0, v63  }
0x90: {  	v3 =	vor.u32 v3, v4  }
0x91: {  	v4 =	vperm.xlane v3, v0;
	_ =	sdelay $0x1  }
0x92: {  	v4 =	vadd.s32 v1, v4;
	_ =	sdelay $0x1  }
0x93: {  	v3 =	vperm.xlane v3, v2;
	_ =	sdelay $0x1  }
0x94: {  	v3 =	vadd.s32 v1, v3  }
0x95: {  	[tilespmem:s28], [sflag:$0x1] =	stream.indirect_vreg.gather [hbm4b:s3+s2], $0x80, v4, vm0, $0xb8;
	[tilespmem:$0x10100] =	vst v63  }
0x96: {  	_ = 	snop  }
0x97: {  	[tilespmem:s29], [sflag:$0x1] =	stream.indirect_vreg.gather [hbm4b:s4+s2], $0x80, v4, vm0, $0xb8;
	[tilespmem:$0x10100] =	vst v63  }
0x98: {  	_ = 	snop  }
0x99: {  	[tilespmem:s30], [sflag:$0x1] =	stream.indirect_vreg.gather [hbm4b:s3+s2], $0x80, v3, vm0, $0xb8;
	[tilespmem:$0x10100] =	vst v63  }
0x9a: {  	_ = 	snop  }
0x9b: {  	[tilespmem:s31], [sflag:$0x1] =	stream.indirect_vreg.gather [hbm4b:s4+s2], $0x80, v3, vm0, $0xb8;
	[tilespmem:$0x10100] =	vst v63  }
0x9c: {  	_ =	swait.ge [sflag:s1], $0x8000  }
0x9d: {  	[sflag:s1] =	ssyncset.done $0x0  }
0x9e: {  	[sflag:s1] =	ssyncadd.s32 $0xFFFF8000  }
0x9f: {  	_ =	swait.ge [sflag:s1], $0x8000  }
0xa0: {  	[sflag:s1] =	ssyncset.done $0x0  }
0xa1: {  	s7 =	rddreg [dreg:$0x5];
	[sflag:s1] =	ssyncadd.s32 $0xFFFF8000  }
0xa2: {  	[hbm4b:s7+s2] =	stream.linear.scatter [tilespmem:s2], [sflag:$0x2], $0x8000, $0x38;
	[tilespmem:$0x10100] =	vst v63  }
0xa3: {  	_ =	swait.ge [sflag:s6], $0x8000  }
0xa4: {  	p0 =	sne.s32 s5, $0x1;
	[sflag:s6] =	ssyncset.done $0x0  }
.Ltmp0:
0xa5: {  	s7 =	rddreg [dreg:$0x6];
	[sflag:s6] =	ssyncadd.s32 $0xFFFF8000;
	(pc) =	sbr.rel @p0 .LBB2_1-.Ltmp0, $4  }
0xa6: {  	[hbm4b:s7+s2] =	stream.linear.scatter [tilespmem:s15], [sflag:$0x2], $0x8000, $0x38;
	[tilespmem:$0x10100] =	vst v63  }
0xa7: {  	_ =	swait.ge [sflag:s6], $0x8000  }
0xa8: {  	[sflag:s6] =	ssyncset.done $0x0  }
0xa9: {  	s5 =	sadd.s32 $0xFFFFFFFF, s5;
	[sflag:s6] =	ssyncadd.s32 $0xFFFF8000  }
0xaa: {  	_ =	sfence.sel $0x180000  }
0xab: {  	[bflag:$0x0] =	sbarrier.arrive $0xFFFF  }
0xac: {  	_ =	strace $0x9000004A  }
0xad: {  	s0 =	stileid.u32;
	[bflag:$0x2] =	sbarrier.arrive $0xFFFF  }
0xae: {  	p0 =	sne.s32 s0, $0x0;
	s0 =	rddreg [dreg:$0x2]  }
0xaf: {  	s0 =	sadd.s32 @!p0 $0x100000, s0  }
0xb0: {  	[sflag:s0] =	ssyncadd.tile.s32 @!p0 $0x1;
	_ =	shalt  }
.Lfunc_end2:
_tile_overlayer_lowered:
.L_overlay_start_2:
0xb1: {  	(tag) =	ssettag $0x2  }
0xb2: {  	s0 =	rddreg [dreg:$0x0];
	s2 =	stileid.u32  }
0xb3: {  	s1 =	rddreg [dreg:$0x1];
	p0 =	sne.s32 s2, $0x0  }
0xb4: {  	s3 =	rddreg [dreg:$0x2];
	[bflag:$0x3] =	sbarrier.arrive $0xFFFF;
	s2 =	simm.s32 @!p0 $0x1C02  }
0xb5: {  	[timem:s3], [sflag:s2] =	dma.local @!p0 [hbm:s0], s1  }
0xb6: {  	s0 =	simm.s32 @!p0 $0x2  }
0xb7: {  	_ =	swait.ge @!p0 [sflag:s0], s1  }
0xb8: {  	s1 =	ssub.s32 @!p0 $0x0, s1;
	[sflag:s0] =	ssyncset.done @!p0 $0x0  }
0xb9: {  	[sflag:s0] =	ssyncadd.s32 @!p0 s1  }
0xba: {  	[bflag:$0x3] =	sbarrier.arrive $0xFFFF  }
0xbb: {  	_ =	shalt  }

// kernel: kernel.7.cloned.1.call-start
scs
__scs_entry_jumppad:
0x0: {  	(pc) =	sbr.rel $0x88, $3  }
0x1: {  	(tag) =	ssettag $0x0;
	lr =	simm.s32 $0x1  }
0x2: {  	[smem:$0x3F97] =	sst lr;
	_ =	strace $0xD0000000  }
0x3: {  	_ = 	snop  }
0x4: {  	_ = 	snop  }
0x5: {  	_ = 	snop  }
0x6: {  	_ = 	snop  }
0x7: {  	_ = 	snop  }
__scs_overlays_trampoline_lowered:
0x8: {  	[smem:$0x3FA6] =	sst s0  }
0x9: {  	[smem:$0x3FA7] =	sst s1  }
0xa: {  	[smem:$0x3FA8] =	sst s2  }
0xb: {  	[smem:$0x3FA9] =	sst s3  }
0xc: {  	[smem:$0x3FAA] =	sst s4  }
0xd: {  	[smem:$0x3FAB] =	sst s5  }
0xe: {  	[smem:$0x3FAC] =	sst s6  }
0xf: {  	[smem:$0x3FAD] =	sst s7  }
0x10: {  	[smem:$0x3FAE] =	sst s8  }
0x11: {  	[smem:$0x3FAF] =	sst s9;
	s0 =	simm.s32 @!p0 $0x0  }
0x12: {  	s1 =	sld [smem:$0x3F95];
	s0 =	simm.s32 @p0 $0x1  }
0x13: {  	[smem:$0x3FB0] =	sst s0;
	s0 =	simm.s32 @!p1 $0x0  }
0x14: {  	s2 =	sld [smem:$0x3F94];
	s0 =	simm.s32 @p1 $0x1  }
0x15: {  	[smem:$0x3FB1] =	sst s0;
	s0 =	simm.s32 @!p2 $0x0  }
0x16: {  	s3 =	sld [smem:$0x3FDB];
	s0 =	simm.s32 @p2 $0x1  }
0x17: {  	s4 =	simm.s32 $0x1BF5;
	[smem:$0x3FB3] =	sst s0  }
0x18: {  	s0 =	sld [smem:$0x3F96];
	_ =	swait.ge [sflag:s4], $0x0  }
0x19: {  	s7 =	sld [smem:$0x3F97]  }
0x1a: {  	s8 =	sadd.s32 $0xFFFFE003, lr  }
0x1b: {  	s9 =	sadd.s32 $0xFFFFFEF7, lr;
	s5 =	simm.s32 $0xFFFFFFFF;
	p2 =	slt.u32 s8, $0xFFFFF086  }
0x1c: {  	p1 =	slt.u32 s9, $0xF7A;
	s5 =	simm.s32 @!p2 $0x0  }
0x1d: {  	s5 =	simm.s32 @p1 $0x1;
	p0 =	seq.s32 s7, s2  }
0x1e: {  	s7 =	smul.u32 @!p0 $0xF7A, s2;
	p2 =	seq.s32 @!p0 s5, $0x0  }
0x1f: {  	s9 =	smul.u32 $0xF7A, s1;
	s8 =	simm.s32 @!p0 $0x1BF5;
	p2 =	por !p2, p0  }
0x20: {  	[sflag:s8] =	ssyncset.s32 @!p0 $0xFFFFF086;
	s6 =	sadd.s32 @!p0 s3, s7;
	s7 =	simm.s32 @!p0 $0x108  }
0x21: {  	s3 =	sadd.s32 s3, s9;
	s6 =	sadd.s32 @!p0 $0x88, s6;
	s7 =	simm.s32 @p2 $0x1082  }
0x22: {  	[simem:s7], [sflag:s8] =	dma.local @!p0 [hbm:s6], $0xF7A  }
0x23: {  	s9 =	sor.u32 $0xD0000000, s2;
	s6 =	simm.s32 $0x108;
	_ =	swait.ge @!p0 [sflag:s8], $0x0  }
0x24: {  	s3 =	sadd.s32 $0x88, s3;
	s6 =	simm.s32 @!p1 $0x1082;
	[sflag:s4] =	ssyncset.s32 $0xFFFFF086  }
0x25: {  	[simem:s6], [sflag:s4] =	dma.local [hbm:s3], $0xF7A  }
0x26: {  	[smem:$0x3F97] =	sst s1;
	(tag) =	ssettag s2;
	_ =	strace s9  }
0x27: {  	s1 =	sld [smem:$0x3FA7]  }
0x28: {  	s2 =	sld [smem:$0x3FA8]  }
0x29: {  	s4 =	sld [smem:$0x3FAA]  }
0x2a: {  	p0 =	seq.s32 s5, $0x0;
	s5 =	sld [smem:$0x3FAB]  }
0x2b: {  	s6 =	sld [smem:$0x3FAC]  }
0x2c: {  	s7 =	sld [smem:$0x3FAD]  }
0x2d: {  	s3 =	simm.s32 $0x108;
	s8 =	sld [smem:$0x3FAE]  }
0x2e: {  	s3 =	simm.s32 @!p0 $0x1082;
	s9 =	sld [smem:$0x3FAF]  }
0x2f: {  	lr =	sadd.s32 s0, s3;
	s0 =	sld [smem:$0x3FA6]  }
0x30: {  	s3 =	sld [smem:$0x3FA9]  }
0x31: {  	[smem:$0x3FB2] =	sst s10  }
0x32: {  	s10 =	sld [smem:$0x3FB0];
	_ =	sdelay $0x3  }
0x33: {  	p0 =	seq.s32 s10, $0x1;
	s10 =	sld [smem:$0x3FB2];
	_ =	sdelay $0x3  }
0x34: {  	[smem:$0x3FB2] =	sst s10  }
0x35: {  	s10 =	sld [smem:$0x3FB1];
	_ =	sdelay $0x3  }
0x36: {  	p1 =	seq.s32 s10, $0x1;
	s10 =	sld [smem:$0x3FB2];
	_ =	sdelay $0x3  }
0x37: {  	[smem:$0x3FB2] =	sst s10  }
0x38: {  	s10 =	sld [smem:$0x3FB3]  }
0x39: {  	_ = 	snop;
	(pc) =	sbr.ind lr, $3  }
0x3a: {  	_ = 	snop  }
0x3b: {  	_ = 	snop  }
0x3c: {  	p2 =	seq.s32 s10, $0x1;
	s10 =	sld [smem:$0x3FB2]  }
0x3d: {  	_ =	shalt  }
0x3e: {  	_ =	shalt  }
0x3f: {  	_ =	shalt  }
0x40: {  	_ =	shalt  }
0x41: {  	_ =	shalt  }
0x42: {  	_ =	shalt  }
0x43: {  	_ =	shalt  }
0x44: {  	_ =	shalt  }
0x45: {  	_ =	shalt  }
0x46: {  	_ =	shalt  }
0x47: {  	_ =	shalt  }
0x48: {  	_ =	shalt  }
0x49: {  	_ =	shalt  }
0x4a: {  	_ =	shalt  }
0x4b: {  	_ =	shalt  }
0x4c: {  	_ =	shalt  }
0x4d: {  	_ =	shalt  }
0x4e: {  	_ =	shalt  }
0x4f: {  	_ =	shalt  }
0x50: {  	_ =	shalt  }
0x51: {  	_ =	shalt  }
0x52: {  	_ =	shalt  }
0x53: {  	_ =	shalt  }
0x54: {  	_ =	shalt  }
0x55: {  	_ =	shalt  }
0x56: {  	_ =	shalt  }
0x57: {  	_ =	shalt  }
0x58: {  	_ =	shalt  }
0x59: {  	_ =	shalt  }
0x5a: {  	_ =	shalt  }
0x5b: {  	_ =	shalt  }
0x5c: {  	_ =	shalt  }
0x5d: {  	_ =	shalt  }
0x5e: {  	_ =	shalt  }
0x5f: {  	_ =	shalt  }
0x60: {  	_ =	shalt  }
0x61: {  	_ =	shalt  }
0x62: {  	_ =	shalt  }
0x63: {  	_ =	shalt  }
0x64: {  	_ =	shalt  }
0x65: {  	_ =	shalt  }
0x66: {  	_ =	shalt  }
0x67: {  	_ =	shalt  }
0x68: {  	_ =	shalt  }
0x69: {  	_ =	shalt  }
0x6a: {  	_ =	shalt  }
0x6b: {  	_ =	shalt  }
0x6c: {  	_ =	shalt  }
0x6d: {  	_ =	shalt  }
0x6e: {  	_ =	shalt  }
0x6f: {  	_ =	shalt  }
0x70: {  	_ =	shalt  }
0x71: {  	_ =	shalt  }
0x72: {  	_ =	shalt  }
0x73: {  	_ =	shalt  }
0x74: {  	_ =	shalt  }
0x75: {  	_ =	shalt  }
0x76: {  	_ =	shalt  }
0x77: {  	_ =	shalt  }
0x78: {  	_ =	shalt  }
0x79: {  	_ =	shalt  }
0x7a: {  	_ =	shalt  }
0x7b: {  	_ =	shalt  }
0x7c: {  	_ =	shalt  }
0x7d: {  	_ =	shalt  }
0x7e: {  	_ =	shalt  }
0x7f: {  	_ =	shalt  }
0x80: {  	_ =	shalt  }
0x81: {  	_ =	shalt  }
0x82: {  	_ =	shalt  }
0x83: {  	_ =	shalt  }
0x84: {  	_ =	shalt  }
0x85: {  	_ =	shalt  }
0x86: {  	_ =	shalt  }
0x87: {  	_ =	shalt  }
.Lfunc_end0:
.L_simem_size_0:
called_computation_lowered:
.L_overlay_start_0:
0x88: {  	s2 =	sld [smem:$0x3FD9]  }
0x89: {  	s3 =	sld [smem:$0x3FFE];
	_ =	sdelay $0x1  }
0x8a: {  	s1 =	srdreg.scid  }
0x8b: {  	s0 =	sand.u32 $0x1, s1  }
0x8c: {  	s17 =	sshll.u32 s0, $0xA;
	s2 =	sadd.s32 s3, s2  }
0x8d: {  	s2 =	sadd.s32 s2, s17  }
0x8e: {  	[smem:$0x3FBE] =	sst s2  }
0x8f: {  	_ = 	snop  }
0x90: {  	s2 =	sld [smem:$0x3FD0];
	(tm) =	ssettm $0x1  }
0x91: {  	s18 =	sld [smem:$0x3FFB];
	_ =	sdelay $0x3  }
0x92: {  	_ =	strace s18  }
0x93: {  	s3 =	sld [smem:$0x3FFC];
	_ =	sdelay $0x3  }
0x94: {  	_ =	strace s3  }
0x95: {  	s3 =	sld [smem:$0x3FFD];
	_ =	sdelay $0x3  }
0x96: {  	_ =	strace s3  }
0x97: {  	_ =	strace $0x8FFFFFFF  }
0x98: {  	s19 =	sld [smem:$0x3FDB];
	_ =	sdelay $0x1  }
0x99: {  	s4 =	simm.s32 $_scs_section_size  }
0x9a: {  	s5 =	simm.s32 $_size__tile_overlayer_lowered;
	s6 =	simm.s32 $_tile_overlayer_lowered  }
0x9b: {  	s22 =	simm.s32 $0x1BFF;
	s21 =	sshll.u32 s6, $0x1;
	s3 =	sadd.s32 s4, s19  }
0x9c: {  	s7 =	simm.s32 $0x0;
	s20 =	sshll.u32 s5, $0x1;
	s5 =	sadd.s32 s21, s3  }
0x9d: {  	[timem:s7], [sflag:s22] =	dma.local [hbm:s5], s20  }
0x9e: {  	_ =	swait.ge [sflag:s22], s20  }
0x9f: {  	s4 =	ssub.s32 $0x0, s20;
	[sflag:s22] =	ssyncset.done $0x0  }
0xa0: {  	[sflag:s22] =	ssyncadd.s32 s4;
	_ =	sdelay $0x1  }
0xa1: {  	s23 =	simm.s32 $0x1B8B  }
0xa2: {  	_ =	swait.ge [sflag:s23], $0x1  }
0xa3: {  	[sflag:s23] =	ssyncset.done $0x0  }
0xa4: {  	s25 =	simm.s32 $0x1B8E;
	s24 =	sld [smem:$0x3FFE];
	[sflag:s23] =	ssyncadd.s32 $0xFFFFFFFF  }
0xa5: {  	s26 =	simm.s32 $execute0_lowered;
	[smem:$0x3FD2] =	sst s25  }
0xa6: {  	s5 =	sshll.u32 s26, $0x1;
	_ =	strace $0x80000046;
	[dreg:$0x1] =	wrdreg $0xFFFFFFFF  }
0xa7: {  	s28 =	simm.s32 $_size_execute0_lowered;
	s3 =	sadd.s32 s3, s5;
	[dreg:$0x0] =	wrdreg $0x0  }
0xa8: {  	s5 =	sshll.u32 s28, $0x1;
	[dreg:$0x2] =	wrdreg s3  }
0xa9: {  	[dreg:$0x3] =	wrdreg s5  }
0xaa: {  	[dreg:$0x4] =	wrdreg $0xC0  }
0xab: {  	_ =	task [dreg:s7], $0x5FFFF  }
0xac: {  	[dreg:$0x1] =	wrdreg $0xFFFFFFFF  }
0xad: {  	[dreg:$0x0] =	wrdreg $0x60  }
0xae: {  	[dreg:$0x2] =	wrdreg s2  }
0xaf: {  	[dreg:$0x3] =	wrdreg s24  }
0xb0: {  	[dreg:$0x4] =	wrdreg $0x9  }
0xb1: {  	_ =	task.clear_ibuf [dreg:s7], $0x5FFFF;
	_ =	strace $0x90000046  }
0xb2: {  	s29 =	simm.s32 $0x9;
	_ =	strace $0x80000048  }
0xb3: {  	_ =	swait.ge [sflag:s29], $0x1  }
0xb4: {  	[sflag:s29] =	ssyncadd.s32 $0xFFFFFFFF  }
0xb5: {  	_ =	strace $0x90000048  }
0xb6: {  	_ =	sfence  }
0xb7: {  	s30 =	sld [smem:$0x0];
	_ =	sdelay $0x2  }
0xb8: {  	s31 =	sshll.u32 s1, $0xD;
	s1 =	sshrl.u32 s1, $0x2  }
0xb9: {  	s3 =	sand.u32 $0x4000, s31;
	s1 =	sadd.s32 s1, s30  }
0xba: {  	s0 =	sor.u32 s3, s0;
	s1 =	sshll.u32 s1, $0x11  }
0xbb: {  	s0 =	sor.u32 s1, s0  }
0xbc: {  	s0 =	sadd.s32 $0x8F2B, s0  }
0xbd: {  	[sflag:s0] =	ssyncadd.remote.s32 $0x1  }
0xbe: {  	_ =	sfence.sel $0xFFFF  }
0xbf: {  	[dreg:$0x0] =	wrdreg $0xFFFFFFFF;
	(pc) =	sbr.abs _section_cstart, $3  }
0xc0: {  	[dreg:$0x1] =	wrdreg $0xFFFFFFFF  }
0xc1: {  	_ =	task.clear_ibuf [dreg:s7], $0x2FFFF;
	_ =	strace $0x9FFFFFFF  }
0xc2: {  	(tm) =	ssettm $0x7FFFFFFF  }
0xc3: {  	_ =	shalt  }
tec
execute0_lowered:
.L_overlay_start_1:
0x0: {  	(tag) =	ssettag $0x1  }
0x1: {  	s1 =	srdreg.scid;
	s6 =	rddreg [dreg:$0x0]  }
0x2: {  	s0 =	stileid.u32;
	s7 =	rddreg [dreg:$0x1]  }
0x3: {  	s2 =	simm.s32 $0x0;
	s10 =	simm.s32 $0x2;
	s11 =	simm.s32 $0x8080  }
0x4: {  	s12 =	simm.s32 $0x800;
	s13 =	simm.s32 $0x1000;
	s14 =	simm.s32 $0x1800  }
0x5: {  	s15 =	simm.s32 $0x2000;
	s16 =	simm.s32 $0x2800;
	s17 =	simm.s32 $0x3000  }
0x6: {  	s18 =	simm.s32 $0x3800;
	s19 =	simm.s32 $0x4000;
	s20 =	simm.s32 $0x4800  }
0x7: {  	s21 =	simm.s32 $0x5000;
	s22 =	simm.s32 $0x5800;
	s23 =	simm.s32 $0x6000  }
0x8: {  	s24 =	simm.s32 $0x6800;
	s25 =	simm.s32 $0x7000;
	s26 =	simm.s32 $0x7800  }
0x9: {  	s28 =	simm.s32 $0x1;
	s3 =	sand.u32 $0x1, s1;
	s1 =	rddreg [dreg:$0x2]  }
0xa: {  	s4 =	sshll.u32 s0, $0x7;
	[smem:$0x7FF] =	sst s2;
	s5 =	sshll.u32 s3, $0x6  }
0xb: {  	s8 =	ssub.s32 $0x2, s3;
	_ =	strace $0x80000047;
	s4 =	sor.u32 s5, s4  }
0xc: {  	s3 =	sadd.s32 $0x2000, s7;
	s9 =	sshrl.u32 s8, $0x1;
	s5 =	sshrl.u32 s4, $0x3  }
0xd: {  	v2 =	vlaneseq.u32;
	s8 =	ssub.s32 s8, s9;
	s31 =	sshll.u32 s4, $0x6;
	s9 =	simm.s32 $0x8000  }
0xe: {  	vm0 =	vmmov $0xffff;
	v1 =	vshrl.u32 v2, $0x3;
	s5 =	sadd.s32 s5, s7;
	s6 =	sadd.s32 s6, s31;
	s7 =	sadd.s32 $0x2100, s7  }
0xf: {  	v0 =	vand.u32 $0x7, v2;
	v2 =	vor.u32 $0x8, v2;
	v1 =	vmul.u32 $0x8, v1;
	s8 =	smax.u32 s8, $0x1;
	s4 =	sadd.s32 $0x1C00, s5;
	s5 =	sadd.s32 $0x1E00, s5  }
.LBB2_1:
0x10: {  	[tilespmem:s9], [sflag:$0x2] =	stream.linear.gather [hbm4b:s4+s2], $0x40, $0x38;
	[tilespmem:$0x8100] =	vst v63  }
0x11: {  	_ =	swait.ge [sflag:s10], $0x40  }
0x12: {  	[sflag:s10] =	ssyncset.done $0x0  }
0x13: {  	[sflag:s10] =	ssyncadd.s32 $0xFFFFFFC0  }
0x14: {  	[tilespmem:s11], [sflag:$0x2] =	stream.linear.gather [hbm4b:s5+s2], $0x40, $0x38;
	[tilespmem:$0x8100] =	vst v63  }
0x15: {  	_ =	swait.ge [sflag:s10], $0x40  }
0x16: {  	[sflag:s10] =	ssyncset.done $0x0  }
0x17: {  	[sflag:s10] =	ssyncadd.s32 $0xFFFFFFC0  }
0x18: {  	[tilespmem:s2], [sflag:$0x2] =	stream.linear.gather [hbm4b:s6+s2], $0x8000, $0x38;
	[tilespmem:$0x8100] =	vst v63  }
0x19: {  	_ =	swait.ge [sflag:s10], $0x8000  }
0x1a: {  	[sflag:s10] =	ssyncset.done $0x0  }
0x1b: {  	[sflag:s10] =	ssyncadd.s32 $0xFFFF8000  }
0x1c: {  	v3 =	vld [tilespmem:$0x8000];
	_ =	sdelay $0x4  }
0x1d: {  	v4 =	vshll.u32 v3, $0x2  }
0x1e: {  	v3 =	vand.u32 $0x7, v3;
	v4 =	vand.u32 $0xFFFFFFE0, v4  }
0x1f: {  	v3 =	vor.u32 v3, v4  }
0x20: {  	v4 =	vperm.xlane v3, v0;
	_ =	sdelay $0x1  }
0x21: {  	v4 =	vadd.s32 v1, v4;
	_ =	sdelay $0x1  }
0x22: {  	v3 =	vperm.xlane v3, v2;
	_ =	sdelay $0x1  }
0x23: {  	v3 =	vadd.s32 v1, v3  }
0x24: {  	[hbm4b:s3+s2] =	stream.indirect_vreg.scatter [tilespmem:s2], [sflag:$0x1], $0x80, v4, vm0, $0xb8;
	[tilespmem:$0x8100] =	vst v63  }
0x25: {  	_ = 	snop  }
0x26: {  	[hbm4b:s7+s2] =	stream.indirect_vreg.scatter [tilespmem:s12], [sflag:$0x1], $0x80, v4, vm0, $0xb8;
	[tilespmem:$0x8100] =	vst v63  }
0x27: {  	_ = 	snop  }
0x28: {  	[hbm4b:s3+s2] =	stream.indirect_vreg.scatter [tilespmem:s13], [sflag:$0x1], $0x80, v3, vm0, $0xb8;
	[tilespmem:$0x8100] =	vst v63  }
0x29: {  	_ = 	snop  }
0x2a: {  	[hbm4b:s7+s2] =	stream.indirect_vreg.scatter [tilespmem:s14], [sflag:$0x1], $0x80, v3, vm0, $0xb8;
	[tilespmem:$0x8100] =	vst v63  }
0x2b: {  	v3 =	vld [tilespmem:$0x8010];
	_ =	sdelay $0x4  }
0x2c: {  	v57 =	vshll.u32 v3, $0x2  }
0x2d: {  	v3 =	vand.u32 $0x7, v3;
	v4 =	vand.u32 $0xFFFFFFE0, v57  }
0x2e: {  	v3 =	vor.u32 v3, v4  }
0x2f: {  	v4 =	vperm.xlane v3, v0;
	_ =	sdelay $0x1  }
0x30: {  	v4 =	vadd.s32 v1, v4;
	_ =	sdelay $0x1  }
0x31: {  	v3 =	vperm.xlane v3, v2;
	_ =	sdelay $0x1  }
0x32: {  	v3 =	vadd.s32 v1, v3  }
0x33: {  	[hbm4b:s3+s2] =	stream.indirect_vreg.scatter [tilespmem:s15], [sflag:$0x1], $0x80, v4, vm0, $0xb8;
	[tilespmem:$0x8100] =	vst v63  }
0x34: {  	_ = 	snop  }
0x35: {  	[hbm4b:s7+s2] =	stream.indirect_vreg.scatter [tilespmem:s16], [sflag:$0x1], $0x80, v4, vm0, $0xb8;
	[tilespmem:$0x8100] =	vst v63  }
0x36: {  	_ = 	snop  }
0x37: {  	[hbm4b:s3+s2] =	stream.indirect_vreg.scatter [tilespmem:s17], [sflag:$0x1], $0x80, v3, vm0, $0xb8;
	[tilespmem:$0x8100] =	vst v63  }
0x38: {  	_ = 	snop  }
0x39: {  	[hbm4b:s7+s2] =	stream.indirect_vreg.scatter [tilespmem:s18], [sflag:$0x1], $0x80, v3, vm0, $0xb8;
	[tilespmem:$0x8100] =	vst v63  }
0x3a: {  	v3 =	vld [tilespmem:$0x8020];
	_ =	sdelay $0x4  }
0x3b: {  	v58 =	vshll.u32 v3, $0x2  }
0x3c: {  	v3 =	vand.u32 $0x7, v3;
	v4 =	vand.u32 $0xFFFFFFE0, v58  }
0x3d: {  	v3 =	vor.u32 v3, v4  }
0x3e: {  	v4 =	vperm.xlane v3, v0;
	_ =	sdelay $0x1  }
0x3f: {  	v4 =	vadd.s32 v1, v4;
	_ =	sdelay $0x1  }
0x40: {  	v3 =	vperm.xlane v3, v2;
	_ =	sdelay $0x1  }
0x41: {  	v3 =	vadd.s32 v1, v3  }
0x42: {  	[hbm4b:s3+s2] =	stream.indirect_vreg.scatter [tilespmem:s19], [sflag:$0x1], $0x80, v4, vm0, $0xb8;
	[tilespmem:$0x8100] =	vst v63  }
0x43: {  	_ = 	snop  }
0x44: {  	[hbm4b:s7+s2] =	stream.indirect_vreg.scatter [tilespmem:s20], [sflag:$0x1], $0x80, v4, vm0, $0xb8;
	[tilespmem:$0x8100] =	vst v63  }
0x45: {  	_ = 	snop  }
0x46: {  	[hbm4b:s3+s2] =	stream.indirect_vreg.scatter [tilespmem:s21], [sflag:$0x1], $0x80, v3, vm0, $0xb8;
	[tilespmem:$0x8100] =	vst v63  }
0x47: {  	_ = 	snop  }
0x48: {  	[hbm4b:s7+s2] =	stream.indirect_vreg.scatter [tilespmem:s22], [sflag:$0x1], $0x80, v3, vm0, $0xb8;
	[tilespmem:$0x8100] =	vst v63  }
0x49: {  	v3 =	vld [tilespmem:$0x8030];
	_ =	sdelay $0x4  }
0x4a: {  	v59 =	vshll.u32 v3, $0x2  }
0x4b: {  	v3 =	vand.u32 $0x7, v3;
	v4 =	vand.u32 $0xFFFFFFE0, v59  }
0x4c: {  	v3 =	vor.u32 v3, v4  }
0x4d: {  	v4 =	vperm.xlane v3, v0;
	_ =	sdelay $0x1  }
0x4e: {  	v4 =	vadd.s32 v1, v4;
	_ =	sdelay $0x1  }
0x4f: {  	v3 =	vperm.xlane v3, v2;
	_ =	sdelay $0x1  }
0x50: {  	v3 =	vadd.s32 v1, v3  }
0x51: {  	[hbm4b:s3+s2] =	stream.indirect_vreg.scatter [tilespmem:s23], [sflag:$0x1], $0x80, v4, vm0, $0xb8;
	[tilespmem:$0x8100] =	vst v63  }
0x52: {  	_ = 	snop  }
0x53: {  	[hbm4b:s7+s2] =	stream.indirect_vreg.scatter [tilespmem:s24], [sflag:$0x1], $0x80, v4, vm0, $0xb8;
	[tilespmem:$0x8100] =	vst v63  }
0x54: {  	_ = 	snop  }
0x55: {  	[hbm4b:s3+s2] =	stream.indirect_vreg.scatter [tilespmem:s25], [sflag:$0x1], $0x80, v3, vm0, $0xb8;
	[tilespmem:$0x8100] =	vst v63  }
0x56: {  	_ = 	snop  }
0x57: {  	[hbm4b:s7+s2] =	stream.indirect_vreg.scatter [tilespmem:s26], [sflag:$0x1], $0x80, v3, vm0, $0xb8;
	[tilespmem:$0x8100] =	vst v63  }
0x58: {  	v3 =	vld [tilespmem:$0x8080];
	_ =	sdelay $0x4  }
0x59: {  	v60 =	vshll.u32 v3, $0x2  }
0x5a: {  	v3 =	vand.u32 $0x7, v3;
	v4 =	vand.u32 $0xFFFFFFE0, v60  }
0x5b: {  	v3 =	vor.u32 v3, v4  }
0x5c: {  	v4 =	vperm.xlane v3, v0;
	_ =	sdelay $0x1  }
0x5d: {  	v4 =	vadd.s32 v1, v4;
	_ =	sdelay $0x1  }
0x5e: {  	v3 =	vperm.xlane v3, v2;
	_ =	sdelay $0x1  }
0x5f: {  	v3 =	vadd.s32 v1, v3  }
0x60: {  	[hbm4b:s3+s2] =	stream.indirect_vreg.scatter [tilespmem:s2], [sflag:$0x1], $0x80, v4, vm0, $0xb8;
	[tilespmem:$0x8100] =	vst v63  }
0x61: {  	_ = 	snop  }
0x62: {  	[hbm4b:s7+s2] =	stream.indirect_vreg.scatter [tilespmem:s12], [sflag:$0x1], $0x80, v4, vm0, $0xb8;
	[tilespmem:$0x8100] =	vst v63  }
0x63: {  	_ = 	snop  }
0x64: {  	[hbm4b:s3+s2] =	stream.indirect_vreg.scatter [tilespmem:s13], [sflag:$0x1], $0x80, v3, vm0, $0xb8;
	[tilespmem:$0x8100] =	vst v63  }
0x65: {  	_ = 	snop  }
0x66: {  	[hbm4b:s7+s2] =	stream.indirect_vreg.scatter [tilespmem:s14], [sflag:$0x1], $0x80, v3, vm0, $0xb8;
	[tilespmem:$0x8100] =	vst v63  }
0x67: {  	v3 =	vld [tilespmem:$0x8090];
	_ =	sdelay $0x4  }
0x68: {  	v61 =	vshll.u32 v3, $0x2  }
0x69: {  	v3 =	vand.u32 $0x7, v3;
	v4 =	vand.u32 $0xFFFFFFE0, v61  }
0x6a: {  	v3 =	vor.u32 v3, v4  }
0x6b: {  	v4 =	vperm.xlane v3, v0;
	_ =	sdelay $0x1  }
0x6c: {  	v4 =	vadd.s32 v1, v4;
	_ =	sdelay $0x1  }
0x6d: {  	v3 =	vperm.xlane v3, v2;
	_ =	sdelay $0x1  }
0x6e: {  	v3 =	vadd.s32 v1, v3  }
0x6f: {  	[hbm4b:s3+s2] =	stream.indirect_vreg.scatter [tilespmem:s15], [sflag:$0x1], $0x80, v4, vm0, $0xb8;
	[tilespmem:$0x8100] =	vst v63  }
0x70: {  	_ = 	snop  }
0x71: {  	[hbm4b:s7+s2] =	stream.indirect_vreg.scatter [tilespmem:s16], [sflag:$0x1], $0x80, v4, vm0, $0xb8;
	[tilespmem:$0x8100] =	vst v63  }
0x72: {  	_ = 	snop  }
0x73: {  	[hbm4b:s3+s2] =	stream.indirect_vreg.scatter [tilespmem:s17], [sflag:$0x1], $0x80, v3, vm0, $0xb8;
	[tilespmem:$0x8100] =	vst v63  }
0x74: {  	_ = 	snop  }
0x75: {  	[hbm4b:s7+s2] =	stream.indirect_vreg.scatter [tilespmem:s18], [sflag:$0x1], $0x80, v3, vm0, $0xb8;
	[tilespmem:$0x8100] =	vst v63  }
0x76: {  	v3 =	vld [tilespmem:$0x80A0];
	_ =	sdelay $0x4  }
0x77: {  	v62 =	vshll.u32 v3, $0x2  }
0x78: {  	v3 =	vand.u32 $0x7, v3;
	v4 =	vand.u32 $0xFFFFFFE0, v62  }
0x79: {  	v3 =	vor.u32 v3, v4  }
0x7a: {  	v4 =	vperm.xlane v3, v0;
	_ =	sdelay $0x1  }
0x7b: {  	v4 =	vadd.s32 v1, v4;
	_ =	sdelay $0x1  }
0x7c: {  	v3 =	vperm.xlane v3, v2;
	_ =	sdelay $0x1  }
0x7d: {  	v3 =	vadd.s32 v1, v3  }
0x7e: {  	[hbm4b:s3+s2] =	stream.indirect_vreg.scatter [tilespmem:s19], [sflag:$0x1], $0x80, v4, vm0, $0xb8;
	[tilespmem:$0x8100] =	vst v63  }
0x7f: {  	_ = 	snop  }
0x80: {  	[hbm4b:s7+s2] =	stream.indirect_vreg.scatter [tilespmem:s20], [sflag:$0x1], $0x80, v4, vm0, $0xb8;
	[tilespmem:$0x8100] =	vst v63  }
0x81: {  	_ = 	snop  }
0x82: {  	[hbm4b:s3+s2] =	stream.indirect_vreg.scatter [tilespmem:s21], [sflag:$0x1], $0x80, v3, vm0, $0xb8;
	[tilespmem:$0x8100] =	vst v63  }
0x83: {  	_ = 	snop  }
0x84: {  	[hbm4b:s7+s2] =	stream.indirect_vreg.scatter [tilespmem:s22], [sflag:$0x1], $0x80, v3, vm0, $0xb8;
	[tilespmem:$0x8100] =	vst v63  }
0x85: {  	v3 =	vld [tilespmem:$0x80B0];
	_ =	sdelay $0x4  }
0x86: {  	v63 =	vshll.u32 v3, $0x2  }
0x87: {  	v3 =	vand.u32 $0x7, v3;
	v4 =	vand.u32 $0xFFFFFFE0, v63  }
0x88: {  	v3 =	vor.u32 v3, v4  }
0x89: {  	v4 =	vperm.xlane v3, v0;
	_ =	sdelay $0x1  }
0x8a: {  	v4 =	vadd.s32 v1, v4;
	_ =	sdelay $0x1  }
0x8b: {  	v3 =	vperm.xlane v3, v2;
	_ =	sdelay $0x1  }
0x8c: {  	v3 =	vadd.s32 v1, v3  }
0x8d: {  	[hbm4b:s3+s2] =	stream.indirect_vreg.scatter [tilespmem:s23], [sflag:$0x1], $0x80, v4, vm0, $0xb8;
	[tilespmem:$0x8100] =	vst v63  }
0x8e: {  	_ = 	snop  }
0x8f: {  	[hbm4b:s7+s2] =	stream.indirect_vreg.scatter [tilespmem:s24], [sflag:$0x1], $0x80, v4, vm0, $0xb8;
	[tilespmem:$0x8100] =	vst v63  }
0x90: {  	_ = 	snop  }
0x91: {  	[hbm4b:s3+s2] =	stream.indirect_vreg.scatter [tilespmem:s25], [sflag:$0x1], $0x80, v3, vm0, $0xb8;
	[tilespmem:$0x8100] =	vst v63  }
0x92: {  	_ = 	snop  }
0x93: {  	[hbm4b:s7+s2] =	stream.indirect_vreg.scatter [tilespmem:s26], [sflag:$0x1], $0x80, v3, vm0, $0xb8;
	[tilespmem:$0x8100] =	vst v63  }
0x94: {  	p0 =	sne.s32 s8, $0x1;
	_ =	swait.ge [sflag:s28], $0x8000  }
.Ltmp0:
0x95: {  	[sflag:s28] =	ssyncset.done $0x0;
	(pc) =	sbr.rel @p0 .LBB2_1-.Ltmp0, $4  }
0x96: {  	[sflag:s28] =	ssyncadd.s32 $0xFFFF8000  }
0x97: {  	_ =	swait.ge [sflag:s28], $0x8000  }
0x98: {  	[sflag:s28] =	ssyncset.done $0x0  }
0x99: {  	s8 =	sadd.s32 $0xFFFFFFFF, s8;
	[sflag:s28] =	ssyncadd.s32 $0xFFFF8000  }
0x9a: {  	_ =	sfence.sel $0x180000  }
0x9b: {  	[bflag:$0x0] =	sbarrier.arrive $0xFFFF  }
0x9c: {  	p0 =	sne.s32 s0, $0x0;
	_ =	strace $0x90000047  }
0x9d: {  	s0 =	sadd.s32 @!p0 $0x100000, s1;
	[bflag:$0x2] =	sbarrier.arrive $0xFFFF  }
0x9e: {  	[sflag:s0] =	ssyncadd.tile.s32 @!p0 $0x1;
	_ =	shalt  }
.Lfunc_end2:
_tile_overlayer_lowered:
.L_overlay_start_2:
0x9f: {  	(tag) =	ssettag $0x2  }
0xa0: {  	s0 =	rddreg [dreg:$0x0];
	s2 =	stileid.u32  }
0xa1: {  	s1 =	rddreg [dreg:$0x1];
	p0 =	sne.s32 s2, $0x0  }
0xa2: {  	s3 =	rddreg [dreg:$0x2];
	[bflag:$0x3] =	sbarrier.arrive $0xFFFF;
	s2 =	simm.s32 @!p0 $0x1C02  }
0xa3: {  	[timem:s3], [sflag:s2] =	dma.local @!p0 [hbm:s0], s1  }
0xa4: {  	s0 =	simm.s32 @!p0 $0x2  }
0xa5: {  	_ =	swait.ge @!p0 [sflag:s0], s1  }
0xa6: {  	s1 =	ssub.s32 @!p0 $0x0, s1;
	[sflag:s0] =	ssyncset.done @!p0 $0x0  }
0xa7: {  	[sflag:s0] =	ssyncadd.s32 @!p0 s1  }
0xa8: {  	[bflag:$0x3] =	sbarrier.arrive $0xFFFF  }
0xa9: {  	_ =	shalt  }

</sc_bundles>
